<compile_context>
chip_gen: v7x
topology: tpu7x:2x2x1
jax: 0.10.2.dev20260603
libtpu: 0.0.44.dev20260713+nightly
codegen_flags: <defaults>
</compile_context>

<pallas_src>
import jax
import jax.numpy as jnp
from jax import lax
from jax.experimental import pallas as pl
from jax.experimental.pallas import tpu as pltpu
from jax.experimental.pallas import tpu_sc as plsc

N_MESH = 50000
N_PIVOT = 2048
D_FEAT = 256
CHUNK = 2048
N_PAD = 51200
N_CHUNKS = N_PAD // CHUNK
INF = 3.0e38


def _insert(e, j, b0, b1, b2, i0, i1, i2):
    c2 = e < b2
    c1 = e < b1
    c0 = e < b0
    nb2 = jnp.where(c2, jnp.where(c1, b1, e), b2)
    ni2 = jnp.where(c2, jnp.where(c1, i1, j), i2)
    nb1 = jnp.where(c1, jnp.where(c0, b0, e), b1)
    ni1 = jnp.where(c1, jnp.where(c0, i0, j), i1)
    nb0 = jnp.where(c0, e, b0)
    ni0 = jnp.where(c0, j, i0)
    return nb0, nb1, nb2, ni0, ni1, ni2


def _top3_body(px_ref, qt_ref, qq_ref, pp_ref, out_ref, bv_s, bi_s):
    c = pl.program_id(0)

    @pl.when(c == 0)
    def _init():
        bv_s[...] = jnp.full((3, N_PIVOT), INF, jnp.float32)
        bi_s[...] = jnp.zeros((3, N_PIVOT), jnp.float32)

    dot = lax.dot_general(
        px_ref[...], qt_ref[...], (((1,), (0,)), ((), ())),
        precision=lax.Precision.DEFAULT,
        preferred_element_type=jnp.float32)
    d2 = (qq_ref[...] - 2.0 * dot) + pp_ref[...]
    lidx = lax.broadcasted_iota(
        jnp.int32, (CHUNK, 1), 0).astype(jnp.float32)

    m1 = jnp.min(d2, axis=0, keepdims=True)
    r1 = jnp.where(d2 == m1, lidx, INF)
    a1 = jnp.min(r1, axis=0, keepdims=True)
    d2b = jnp.where(r1 == a1, INF, d2)
    m2 = jnp.min(d2b, axis=0, keepdims=True)
    r2 = jnp.where(d2b == m2, lidx, INF)
    a2 = jnp.min(r2, axis=0, keepdims=True)
    d2c = jnp.where(r2 == a2, INF, d2b)
    m3 = jnp.min(d2c, axis=0, keepdims=True)
    a3 = jnp.min(jnp.where(d2c == m3, lidx, INF), axis=0, keepdims=True)

    off = jnp.float32(c * CHUNK)
    bv = bv_s[...]
    bi = bi_s[...]
    b0, b1, b2 = bv[0:1, :], bv[1:2, :], bv[2:3, :]
    i0, i1, i2 = bi[0:1, :], bi[1:2, :], bi[2:3, :]
    b0, b1, b2, i0, i1, i2 = _insert(m1, a1 + off, b0, b1, b2, i0, i1, i2)
    b0, b1, b2, i0, i1, i2 = _insert(m2, a2 + off, b0, b1, b2, i0, i1, i2)
    b0, b1, b2, i0, i1, i2 = _insert(m3, a3 + off, b0, b1, b2, i0, i1, i2)
    bv_s[...] = jnp.concatenate([b0, b1, b2], axis=0)
    bi_s[...] = jnp.concatenate([i0, i1, i2], axis=0)

    @pl.when(c == N_CHUNKS - 1)
    def _emit():
        out_ref[...] = jnp.concatenate(
            [i0, i1, i2], axis=0).astype(jnp.int32)


def _knn_top3(q8, pxt8, qq, pp):
    return pl.pallas_call(
        _top3_body,
        grid=(N_CHUNKS,),
        in_specs=[
            pl.BlockSpec((CHUNK, 8), lambda c: (c, 0)),
            pl.BlockSpec((8, N_PIVOT), lambda c: (0, 0)),
            pl.BlockSpec((1, N_PIVOT), lambda c: (0, 0)),
            pl.BlockSpec((CHUNK, 1), lambda c: (c, 0)),
        ],
        out_specs=pl.BlockSpec((3, N_PIVOT), lambda c: (0, 0)),
        out_shape=jax.ShapeDtypeStruct((3, N_PIVOT), jnp.int32),
        scratch_shapes=[
            pltpu.VMEM((3, N_PIVOT), jnp.float32),
            pltpu.VMEM((3, N_PIVOT), jnp.float32),
        ],
        compiler_params=pltpu.CompilerParams(
            dimension_semantics=("arbitrary",)),
    )(q8, pxt8, qq, pp)


_NC = 2
_NS = 16
_NW = _NC * _NS
_QPW = N_PIVOT // _NW
_RPW = 3 * _QPW


def _interp_body(x_hbm, px_hbm, py_hbm, xidx_hbm, y_hbm, w_hbm,
                 idx_v, xrows, prows, qrows, ybuf, wbuf, sem):
    wid = lax.axis_index("s") * _NC + lax.axis_index("c")
    qbase = wid * _QPW
    rbase = wid * _RPW
    pltpu.sync_copy(xidx_hbm.at[pl.ds(rbase, _RPW)], idx_v)
    pltpu.async_copy(x_hbm.at[idx_v], xrows, sem).wait()
    pltpu.async_copy(px_hbm.at[idx_v], prows, sem).wait()
    pltpu.sync_copy(py_hbm.at[pl.ds(qbase, _QPW)], qrows)

    lane = lax.iota(jnp.int32, 16)

    def splat(v, i):
        idx = jnp.full((16, 1), i, dtype=jnp.int32)
        dn = lax.GatherDimensionNumbers(
            offset_dims=(), collapsed_slice_dims=(0,), start_index_map=(0,))
        return lax.gather(v, idx, dn, slice_sizes=(1,),
                          mode=lax.GatherScatterMode.PROMISE_IN_BOUNDS)

    def body(q, _):
        qv = qrows[q, :]
        ws = []
        for s in range(3):
            pv = prows[3 * q + s, pl.ds(0, 16)]
            dv = pv - qv
            sq = dv * dv
            d2v = (splat(sq, 0) + splat(sq, 1)) + splat(sq, 2)
            wv = 1.0 / jnp.maximum(d2v, jnp.float32(1e-16))
            ws.append(wv)
        w0, w1, w2 = ws
        wvec = jnp.where(lane == 0, w0,
                         jnp.where(lane == 1, w1,
                                   jnp.where(lane == 2, w2, 0.0)))
        wbuf[q, :] = wvec
        inv = 1.0 / ((w0 + w1) + w2)
        for f in range(D_FEAT // 16):
            sl = pl.ds(f * 16, 16)
            acc = (xrows[3 * q, sl] * w0 + xrows[3 * q + 1, sl] * w1
                   + xrows[3 * q + 2, sl] * w2)
            ybuf[q, sl] = acc * inv
        return _

    lax.fori_loop(0, _QPW, body, 0)
    pltpu.sync_copy(ybuf, y_hbm.at[pl.ds(qbase, _QPW)])
    pltpu.sync_copy(wbuf, w_hbm.at[pl.ds(qbase, _QPW)])


def _interp(x, px_pad, py_pad, xidx_flat):
    mesh = plsc.VectorSubcoreMesh(core_axis_name="c", subcore_axis_name="s")
    fn = pl.kernel(
        _interp_body,
        mesh=mesh,
        out_type=[
            jax.ShapeDtypeStruct((N_PIVOT, D_FEAT), jnp.float32),
            jax.ShapeDtypeStruct((N_PIVOT, 16), jnp.float32),
        ],
        scratch_types=[
            pltpu.VMEM((_RPW,), jnp.int32),
            pltpu.VMEM((_RPW, D_FEAT), jnp.float32),
            pltpu.VMEM((_RPW, 128), jnp.float32),
            pltpu.VMEM((_QPW, 16), jnp.float32),
            pltpu.VMEM((_QPW, D_FEAT), jnp.float32),
            pltpu.VMEM((_QPW, 16), jnp.float32),
            pltpu.SemaphoreType.DMA,
        ],
    )
    return fn(x, px_pad, py_pad, xidx_flat)


def kernel(x, pos_x, pos_y, k):
    f32 = jnp.float32
    x_sq = jnp.sum(pos_x * pos_x, axis=-1)
    qq = jnp.sum(pos_y * pos_y, axis=-1, keepdims=True)
    px8 = jnp.concatenate(
        [pos_x, jnp.zeros((N_MESH, 5), f32)], axis=1)
    px8 = jnp.concatenate([px8, jnp.zeros((N_PAD - N_MESH, 8), f32)], axis=0)
    q8t = jnp.concatenate([pos_y, jnp.zeros((N_PIVOT, 5), f32)], axis=1).T
    pp = jnp.concatenate(
        [x_sq, jnp.full((N_PAD - N_MESH,), 3.0e38, f32)])[:, None]

    bi = _knn_top3(px8, q8t, qq.T, pp)
    x_idx = bi.T.reshape(-1)

    px_pad = jnp.concatenate([pos_x, jnp.zeros((N_MESH, 125), f32)], axis=1)
    py_pad = jnp.concatenate([pos_y, jnp.zeros((N_PIVOT, 13), f32)], axis=1)
    y, w = _interp(x, px_pad, py_pad, x_idx)
    weights = w[:, :3].reshape(-1)[:, None]

    y_idx = jnp.repeat(jnp.arange(N_PIVOT, dtype=jnp.int32), 3)
    return (y, x_idx, y_idx, weights)

# --- scband reference (transcript-rebuilt; emitter-appended) ---
"""Pipeline reference for scband-mesh-reduced-5214090297585 (READ-ONLY COPY).

The authoritative reference and input builder live on the scoring server;
editing this copy changes nothing except your own understanding.
"""

import jax, jax.numpy as jnp
import numpy as np

N_MESH = 50000
N_PIVOT = 2048
D_FEAT = 256
K = 3


def setup_inputs(seed: int = 0) -> dict:
    key = jax.random.key(seed)
    k1, k2, k3 = jax.random.split(key, 3)
    x = jax.random.normal(k1, (N_MESH, D_FEAT), dtype=jnp.float32)
    pos_x = jax.random.uniform(k2, (N_MESH, 3), dtype=jnp.float32)
    pos_y = jax.random.uniform(k3, (N_PIVOT, 3), dtype=jnp.float32)
    return {"x": x, "pos_x": pos_x, "pos_y": pos_y, "k": K}


def _knn(pos_x, pos_y, k, chunk=512):
    # brute-force kNN: for each query in pos_y find k nearest points in pos_x
    # (equivalent to torch_cluster.knn(pos_x, pos_y, k) with a single batch)
    n_y = pos_y.shape[0]
    x_sq = jnp.sum(pos_x * pos_x, axis=-1)
    idx_chunks = []
    for s in range(0, n_y, chunk):
        q = pos_y[s:s + chunk]
        d2 = jnp.sum(q * q, axis=-1, keepdims=True) - 2.0 * (q @ pos_x.T) + x_sq[None, :]
        _, idx = jax.lax.top_k(-d2, k)
        idx_chunks.append(idx)
    idx = jnp.concatenate(idx_chunks, axis=0)  # [n_y, k]
    y_idx = jnp.repeat(jnp.arange(n_y), k)
    x_idx = idx.reshape(-1)
    return y_idx, x_idx


def reference(x, pos_x, pos_y, k):
    # faithful translation of Mesh_Reduced.knn_interpolate (single graph,
    # batch_x = batch_y = all-zeros, i.e. one batch segment)
    y_idx, x_idx = _knn(pos_x, pos_y, K)
    x_idx = x_idx + (k - k)
    diff = pos_x[x_idx] - pos_y[y_idx]
    squared_distance = jnp.sum(diff * diff, axis=-1, keepdims=True)
    weights = 1.0 / jnp.clip(squared_distance, 1e-16)
    n_y = pos_y.shape[0]
    num = jax.ops.segment_sum(x[x_idx] * weights, y_idx, num_segments=n_y)
    den = jax.ops.segment_sum(weights, y_idx, num_segments=n_y)
    y = num / den
    return (y.astype(jnp.float32), x_idx, y_idx, weights)

if __name__ == "__main__":
    import jax
    _d = setup_inputs()
    print(jax.jit(kernel)(*tuple(_d.values())))

</pallas_src>

<mosaic_0001>
#map = affine_map<(d0, d1) -> (0, 0)>
#map1 = affine_map<(d0, d1) -> (0)>
module attributes {stable_mosaic.version = 14 : i64} {
  func.func @_interp_body(%arg0: i32, %arg1: i32, %arg2: memref<50000x256xf32, #tpu.memory_space<hbm>>, %arg3: memref<50000x128xf32, #tpu.memory_space<hbm>>, %arg4: memref<2048x16xf32, #tpu.memory_space<hbm>>, %arg5: memref<6144xi32, #tpu.memory_space<hbm>>, %arg6: memref<2048x256xf32, #tpu.memory_space<hbm>>, %arg7: memref<2048x16xf32, #tpu.memory_space<hbm>>, %arg8: memref<192xi32, #tpu.memory_space<vmem>>, %arg9: memref<192x256xf32, #tpu.memory_space<vmem>>, %arg10: memref<192x128xf32, #tpu.memory_space<vmem>>, %arg11: memref<64x16xf32, #tpu.memory_space<vmem>>, %arg12: memref<64x256xf32, #tpu.memory_space<vmem>>, %arg13: memref<64x16xf32, #tpu.memory_space<vmem>>, %arg14: memref<!tpu.dma_semaphore, #tpu.memory_space<semaphore_mem>>) attributes {dimension_semantics = [#tpu.dimension_semantics<core_parallel>, #tpu.dimension_semantics<subcore_parallel>], iteration_bounds = array<i64: 2, 16>, scalar_prefetch = 0 : i64, scratch_operands = 7 : i64, tpu.core_type = #tpu.core_type<sc_vector_subcore>, window_params = [{transform_indices = #map}, {transform_indices = #map}, {transform_indices = #map}, {transform_indices = #map1}, {transform_indices = #map}, {transform_indices = #map}]} {
    %mul3A = arith.constant 2 : i32
    %mul3A_0 = arith.muli %arg1, %mul3A : i32
    %add3A = arith.addi %mul3A_0, %arg0 : i32
    %mul3A_1 = arith.constant 64 : i32
    %mul3A_2 = arith.muli %add3A, %mul3A_1 : i32
    %mul3A_3 = arith.constant 192 : i32
    %mul3A_4 = arith.muli %add3A, %mul3A_3 : i32
    "tpu.region"() ({
      %run_scoped3A = tpu.sem_alloc : memref<!tpu.dma_semaphore, #tpu.memory_space<semaphore_mem>>
      %dma_start3A_20 = tpu.memref_slice %arg5[%mul3A_4] : memref<6144xi32, #tpu.memory_space<hbm>> -> memref<192xi32, #tpu.memory_space<hbm>>
      %dma_start3A_21 = tpu.memref_slice %arg5[%mul3A_4] : memref<6144xi32, #tpu.memory_space<hbm>> -> memref<192xi32, #tpu.memory_space<hbm>>
      tpu.enqueue_dma source(%dma_start3A_21 : memref<192xi32, #tpu.memory_space<hbm>>) target(%arg8 : memref<192xi32, #tpu.memory_space<vmem>>) target_semaphore(%run_scoped3A : memref<!tpu.dma_semaphore, #tpu.memory_space<semaphore_mem>>)
      %dma_wait3A_22 = tpu.memref_slice %arg5[%mul3A_4] : memref<6144xi32, #tpu.memory_space<hbm>> -> memref<192xi32, #tpu.memory_space<hbm>>
      %dma_wait3A_23 = tpu.memref_slice %arg5[%mul3A_4] : memref<6144xi32, #tpu.memory_space<hbm>> -> memref<192xi32, #tpu.memory_space<hbm>>
      tpu.wait_dma2 semaphore(%run_scoped3A : memref<!tpu.dma_semaphore, #tpu.memory_space<semaphore_mem>>) src(%dma_wait3A_23 : memref<192xi32, #tpu.memory_space<hbm>>) dst(%arg8 : memref<192xi32, #tpu.memory_space<vmem>>)
      tpu.yield
    }) : () -> ()
    %dma_start3A = arith.constant 0 : i32
    %dma_start3A_5 = arith.constant 0 : i32
    %dma_start3A_6 = tpu.memref_slice %arg2[%dma_start3A, %dma_start3A_5] : memref<50000x256xf32, #tpu.memory_space<hbm>> -> memref<50000x256xf32, #tpu.memory_space<hbm>>
    tpu.enqueue_indirect_dma source(%dma_start3A_6 : memref<50000x256xf32, #tpu.memory_space<hbm>>) target(%arg9 : memref<192x256xf32, #tpu.memory_space<vmem>>) offsets(%arg8 : memref<192xi32, #tpu.memory_space<vmem>>) semaphore(%arg14 : memref<!tpu.dma_semaphore, #tpu.memory_space<semaphore_mem>>)
    %dma_wait3A = arith.constant 0 : i32
    %dma_wait3A_7 = arith.constant 0 : i32
    %dma_wait3A_8 = tpu.memref_slice %arg2[%dma_wait3A, %dma_wait3A_7] : memref<50000x256xf32, #tpu.memory_space<hbm>> -> memref<50000x256xf32, #tpu.memory_space<hbm>>
    tpu.wait_indirect_dma semaphore(%arg14 : memref<!tpu.dma_semaphore, #tpu.memory_space<semaphore_mem>>) src(%dma_wait3A_8 : memref<50000x256xf32, #tpu.memory_space<hbm>>) dst(%arg9 : memref<192x256xf32, #tpu.memory_space<vmem>>)
    %dma_start3A_9 = arith.constant 0 : i32
    %dma_start3A_10 = arith.constant 0 : i32
    %dma_start3A_11 = tpu.memref_slice %arg3[%dma_start3A_9, %dma_start3A_10] : memref<50000x128xf32, #tpu.memory_space<hbm>> -> memref<50000x128xf32, #tpu.memory_space<hbm>>
    tpu.enqueue_indirect_dma source(%dma_start3A_11 : memref<50000x128xf32, #tpu.memory_space<hbm>>) target(%arg10 : memref<192x128xf32, #tpu.memory_space<vmem>>) offsets(%arg8 : memref<192xi32, #tpu.memory_space<vmem>>) semaphore(%arg14 : memref<!tpu.dma_semaphore, #tpu.memory_space<semaphore_mem>>)
    %dma_wait3A_12 = arith.constant 0 : i32
    %dma_wait3A_13 = arith.constant 0 : i32
    %dma_wait3A_14 = tpu.memref_slice %arg3[%dma_wait3A_12, %dma_wait3A_13] : memref<50000x128xf32, #tpu.memory_space<hbm>> -> memref<50000x128xf32, #tpu.memory_space<hbm>>
    tpu.wait_indirect_dma semaphore(%arg14 : memref<!tpu.dma_semaphore, #tpu.memory_space<semaphore_mem>>) src(%dma_wait3A_14 : memref<50000x128xf32, #tpu.memory_space<hbm>>) dst(%arg10 : memref<192x128xf32, #tpu.memory_space<vmem>>)
    "tpu.region"() ({
      %run_scoped3A = tpu.sem_alloc : memref<!tpu.dma_semaphore, #tpu.memory_space<semaphore_mem>>
      %dma_start3A_20 = arith.constant 0 : i32
      %dma_start3A_21 = tpu.memref_slice %arg4[%mul3A_2, %dma_start3A_20] : memref<2048x16xf32, #tpu.memory_space<hbm>> -> memref<64x16xf32, #tpu.memory_space<hbm>>
      %dma_start3A_22 = arith.constant 0 : i32
      %dma_start3A_23 = tpu.memref_slice %arg4[%mul3A_2, %dma_start3A_22] : memref<2048x16xf32, #tpu.memory_space<hbm>> -> memref<64x16xf32, #tpu.memory_space<hbm>>
      tpu.enqueue_dma source(%dma_start3A_23 : memref<64x16xf32, #tpu.memory_space<hbm>>) target(%arg11 : memref<64x16xf32, #tpu.memory_space<vmem>>) target_semaphore(%run_scoped3A : memref<!tpu.dma_semaphore, #tpu.memory_space<semaphore_mem>>)
      %dma_wait3A_24 = arith.constant 0 : i32
      %dma_wait3A_25 = tpu.memref_slice %arg4[%mul3A_2, %dma_wait3A_24] : memref<2048x16xf32, #tpu.memory_space<hbm>> -> memref<64x16xf32, #tpu.memory_space<hbm>>
      %dma_wait3A_26 = arith.constant 0 : i32
      %dma_wait3A_27 = tpu.memref_slice %arg4[%mul3A_2, %dma_wait3A_26] : memref<2048x16xf32, #tpu.memory_space<hbm>> -> memref<64x16xf32, #tpu.memory_space<hbm>>
      tpu.wait_dma2 semaphore(%run_scoped3A : memref<!tpu.dma_semaphore, #tpu.memory_space<semaphore_mem>>) src(%dma_wait3A_27 : memref<64x16xf32, #tpu.memory_space<hbm>>) dst(%arg11 : memref<64x16xf32, #tpu.memory_space<vmem>>)
      tpu.yield
    }) : () -> ()
    %iota3A = tpu.iota {dimensions = array<i32: 0>} : vector<16xi32>
    %scan3A = arith.constant 0 : i32
    %scan3A_15 = arith.constant 0 : i32
    %scan3A_16 = arith.constant 64 : i32
    %scan3A_17 = arith.addi %scan3A_15, %scan3A_16 : i32
    %scan3A_18 = arith.constant 1 : i32
    scf.for %scan3A_20 = %scan3A_15 to %scan3A_17 step %scan3A_18  : i32 {
      %get3A = arith.index_cast %scan3A_20 : i32 to index
      %get3A_21 = arith.constant 0 : index
      %get3A_22 = tpu.vector_load %arg11[%get3A, %get3A_21] {strides = array<i32>} : memref<64x16xf32, #tpu.memory_space<vmem>>, vector<1x16xf32>,
      %get3A_23 = vector.shape_cast %get3A_22 : vector<1x16xf32> to vector<16xf32>
      %mul3A_24 = arith.constant 3 : i32
      %mul3A_25 = arith.muli %mul3A_24, %scan3A_20 : i32
      %add3A_26 = arith.constant 0 : i32
      %add3A_27 = arith.addi %mul3A_25, %add3A_26 : i32
      %get3A_28 = arith.index_cast %add3A_27 : i32 to index
      %get3A_29 = arith.constant 0 : index
      %get3A_30 = tpu.vector_load %arg10[%get3A_28, %get3A_29] {strides = array<i32>} : memref<192x128xf32, #tpu.memory_space<vmem>>, vector<1x16xf32>,
      %get3A_31 = vector.shape_cast %get3A_30 : vector<1x16xf32> to vector<16xf32>
      %sub3A = arith.subf %get3A_31, %get3A_23 : vector<16xf32>
      %mul3A_32 = arith.mulf %sub3A, %sub3A : vector<16xf32>
      %broadcast_in_dim3A = arith.constant 0 : i32
      %broadcast_in_dim3A_33 = vector.broadcast %broadcast_in_dim3A : i32 to vector<16x1xi32>
      %gather3A = vector.shape_cast %broadcast_in_dim3A_33 : vector<16x1xi32> to vector<16xi32>
      %gather3A_34 = tpu.dynamic_gather %mul3A_32[%gather3A] in [0] : vector<16xf32>, vector<16xi32> -> vector<16xf32>
      %broadcast_in_dim3A_35 = arith.constant 1 : i32
      %broadcast_in_dim3A_36 = vector.broadcast %broadcast_in_dim3A_35 : i32 to vector<16x1xi32>
      %gather3A_37 = vector.shape_cast %broadcast_in_dim3A_36 : vector<16x1xi32> to vector<16xi32>
      %gather3A_38 = tpu.dynamic_gather %mul3A_32[%gather3A_37] in [0] : vector<16xf32>, vector<16xi32> -> vector<16xf32>
      %add3A_39 = arith.addf %gather3A_34, %gather3A_38 : vector<16xf32>
      %broadcast_in_dim3A_40 = arith.constant 2 : i32
      %broadcast_in_dim3A_41 = vector.broadcast %broadcast_in_dim3A_40 : i32 to vector<16x1xi32>
      %gather3A_42 = vector.shape_cast %broadcast_in_dim3A_41 : vector<16x1xi32> to vector<16xi32>
      %gather3A_43 = tpu.dynamic_gather %mul3A_32[%gather3A_42] in [0] : vector<16xf32>, vector<16xi32> -> vector<16xf32>
      %add3A_44 = arith.addf %add3A_39, %gather3A_43 : vector<16xf32>
      %max3A = arith.constant 1.000000e-16 : f32
      %max3A_45 = vector.broadcast %max3A : f32 to vector<16xf32>
      %max3A_46 = arith.maximumf %add3A_44, %max3A_45 : vector<16xf32>
      %div3A = arith.constant 1.000000e+00 : f32
      %div3A_47 = vector.broadcast %div3A : f32 to vector<16xf32>
      %div3A_48 = arith.divf %div3A_47, %max3A_46 : vector<16xf32>
      %mul3A_49 = arith.constant 3 : i32
      %mul3A_50 = arith.muli %mul3A_49, %scan3A_20 : i32
      %add3A_51 = arith.constant 1 : i32
      %add3A_52 = arith.addi %mul3A_50, %add3A_51 : i32
      %get3A_53 = arith.index_cast %add3A_52 : i32 to index
      %get3A_54 = arith.constant 0 : index
      %get3A_55 = tpu.vector_load %arg10[%get3A_53, %get3A_54] {strides = array<i32>} : memref<192x128xf32, #tpu.memory_space<vmem>>, vector<1x16xf32>,
      %get3A_56 = vector.shape_cast %get3A_55 : vector<1x16xf32> to vector<16xf32>
      %sub3A_57 = arith.subf %get3A_56, %get3A_23 : vector<16xf32>
      %mul3A_58 = arith.mulf %sub3A_57, %sub3A_57 : vector<16xf32>
      %broadcast_in_dim3A_59 = arith.constant 0 : i32
      %broadcast_in_dim3A_60 = vector.broadcast %broadcast_in_dim3A_59 : i32 to vector<16x1xi32>
      %gather3A_61 = vector.shape_cast %broadcast_in_dim3A_60 : vector<16x1xi32> to vector<16xi32>
      %gather3A_62 = tpu.dynamic_gather %mul3A_58[%gather3A_61] in [0] : vector<16xf32>, vector<16xi32> -> vector<16xf32>
      %broadcast_in_dim3A_63 = arith.constant 1 : i32
      %broadcast_in_dim3A_64 = vector.broadcast %broadcast_in_dim3A_63 : i32 to vector<16x1xi32>
      %gather3A_65 = vector.shape_cast %broadcast_in_dim3A_64 : vector<16x1xi32> to vector<16xi32>
      %gather3A_66 = tpu.dynamic_gather %mul3A_58[%gather3A_65] in [0] : vector<16xf32>, vector<16xi32> -> vector<16xf32>
      %add3A_67 = arith.addf %gather3A_62, %gather3A_66 : vector<16xf32>
      %broadcast_in_dim3A_68 = arith.constant 2 : i32
      %broadcast_in_dim3A_69 = vector.broadcast %broadcast_in_dim3A_68 : i32 to vector<16x1xi32>
      %gather3A_70 = vector.shape_cast %broadcast_in_dim3A_69 : vector<16x1xi32> to vector<16xi32>
      %gather3A_71 = tpu.dynamic_gather %mul3A_58[%gather3A_70] in [0] : vector<16xf32>, vector<16xi32> -> vector<16xf32>
      %add3A_72 = arith.addf %add3A_67, %gather3A_71 : vector<16xf32>
      %max3A_73 = arith.constant 1.000000e-16 : f32
      %max3A_74 = vector.broadcast %max3A_73 : f32 to vector<16xf32>
      %max3A_75 = arith.maximumf %add3A_72, %max3A_74 : vector<16xf32>
      %div3A_76 = arith.constant 1.000000e+00 : f32
      %div3A_77 = vector.broadcast %div3A_76 : f32 to vector<16xf32>
      %div3A_78 = arith.divf %div3A_77, %max3A_75 : vector<16xf32>
      %mul3A_79 = arith.constant 3 : i32
      %mul3A_80 = arith.muli %mul3A_79, %scan3A_20 : i32
      %add3A_81 = arith.constant 2 : i32
      %add3A_82 = arith.addi %mul3A_80, %add3A_81 : i32
      %get3A_83 = arith.index_cast %add3A_82 : i32 to index
      %get3A_84 = arith.constant 0 : index
      %get3A_85 = tpu.vector_load %arg10[%get3A_83, %get3A_84] {strides = array<i32>} : memref<192x128xf32, #tpu.memory_space<vmem>>, vector<1x16xf32>,
      %get3A_86 = vector.shape_cast %get3A_85 : vector<1x16xf32> to vector<16xf32>
      %sub3A_87 = arith.subf %get3A_86, %get3A_23 : vector<16xf32>
      %mul3A_88 = arith.mulf %sub3A_87, %sub3A_87 : vector<16xf32>
      %broadcast_in_dim3A_89 = arith.constant 0 : i32
      %broadcast_in_dim3A_90 = vector.broadcast %broadcast_in_dim3A_89 : i32 to vector<16x1xi32>
      %gather3A_91 = vector.shape_cast %broadcast_in_dim3A_90 : vector<16x1xi32> to vector<16xi32>
      %gather3A_92 = tpu.dynamic_gather %mul3A_88[%gather3A_91] in [0] : vector<16xf32>, vector<16xi32> -> vector<16xf32>
      %broadcast_in_dim3A_93 = arith.constant 1 : i32
      %broadcast_in_dim3A_94 = vector.broadcast %broadcast_in_dim3A_93 : i32 to vector<16x1xi32>
      %gather3A_95 = vector.shape_cast %broadcast_in_dim3A_94 : vector<16x1xi32> to vector<16xi32>
      %gather3A_96 = tpu.dynamic_gather %mul3A_88[%gather3A_95] in [0] : vector<16xf32>, vector<16xi32> -> vector<16xf32>
      %add3A_97 = arith.addf %gather3A_92, %gather3A_96 : vector<16xf32>
      %broadcast_in_dim3A_98 = arith.constant 2 : i32
      %broadcast_in_dim3A_99 = vector.broadcast %broadcast_in_dim3A_98 : i32 to vector<16x1xi32>
      %gather3A_100 = vector.shape_cast %broadcast_in_dim3A_99 : vector<16x1xi32> to vector<16xi32>
      %gather3A_101 = tpu.dynamic_gather %mul3A_88[%gather3A_100] in [0] : vector<16xf32>, vector<16xi32> -> vector<16xf32>
      %add3A_102 = arith.addf %add3A_97, %gather3A_101 : vector<16xf32>
      %max3A_103 = arith.constant 1.000000e-16 : f32
      %max3A_104 = vector.broadcast %max3A_103 : f32 to vector<16xf32>
      %max3A_105 = arith.maximumf %add3A_102, %max3A_104 : vector<16xf32>
      %div3A_106 = arith.constant 1.000000e+00 : f32
      %div3A_107 = vector.broadcast %div3A_106 : f32 to vector<16xf32>
      %div3A_108 = arith.divf %div3A_107, %max3A_105 : vector<16xf32>
      %eq3A = arith.constant 0 : i32
      %eq3A_109 = vector.broadcast %eq3A : i32 to vector<16xi32>
      %eq3A_110 = arith.cmpi eq, %iota3A, %eq3A_109 : vector<16xi32>
      %eq3A_111 = arith.constant 1 : i32
      %eq3A_112 = vector.broadcast %eq3A_111 : i32 to vector<16xi32>
      %eq3A_113 = arith.cmpi eq, %iota3A, %eq3A_112 : vector<16xi32>
      %eq3A_114 = arith.constant 2 : i32
      %eq3A_115 = vector.broadcast %eq3A_114 : i32 to vector<16xi32>
      %eq3A_116 = arith.cmpi eq, %iota3A, %eq3A_115 : vector<16xi32>
      %jit3A = arith.constant 0.000000e+00 : f32
      %broadcast_in_dim3A_117 = vector.broadcast %jit3A : f32 to vector<16xf32>
      %select_n3A = arith.select %eq3A_116, %div3A_108, %broadcast_in_dim3A_117 : vector<16xi1>, vector<16xf32>
      %select_n3A_118 = arith.select %eq3A_113, %div3A_78, %select_n3A : vector<16xi1>, vector<16xf32>
      %select_n3A_119 = arith.select %eq3A_110, %div3A_48, %select_n3A_118 : vector<16xi1>, vector<16xf32>
      %swap3A = arith.index_cast %scan3A_20 : i32 to index
      %swap3A_120 = arith.constant 0 : index
      %swap3A_121 = tpu.vector_load %arg13[%swap3A, %swap3A_120] {strides = array<i32>} : memref<64x16xf32, #tpu.memory_space<vmem>>, vector<1x16xf32>,
      %swap3A_122 = vector.shape_cast %swap3A_121 : vector<1x16xf32> to vector<16xf32>
      %swap3A_123 = vector.shape_cast %select_n3A_119 : vector<16xf32> to vector<1x16xf32>
      tpu.vector_store %arg13[%swap3A, %swap3A_120], %swap3A_123 {strides = array<i32>} : memref<64x16xf32, #tpu.memory_space<vmem>>, vector<1x16xf32>,
      %add3A_124 = arith.addf %div3A_48, %div3A_78 : vector<16xf32>
      %add3A_125 = arith.addf %add3A_124, %div3A_108 : vector<16xf32>
      %div3A_126 = arith.constant 1.000000e+00 : f32
      %div3A_127 = vector.broadcast %div3A_126 : f32 to vector<16xf32>
      %div3A_128 = arith.divf %div3A_127, %add3A_125 : vector<16xf32>
      %mul3A_129 = arith.constant 3 : i32
      %mul3A_130 = arith.muli %mul3A_129, %scan3A_20 : i32
      %get3A_131 = arith.index_cast %mul3A_130 : i32 to index
      %get3A_132 = arith.constant 0 : index
      %get3A_133 = tpu.vector_load %arg9[%get3A_131, %get3A_132] {strides = array<i32>} : memref<192x256xf32, #tpu.memory_space<vmem>>, vector<1x16xf32>,
      %get3A_134 = vector.shape_cast %get3A_133 : vector<1x16xf32> to vector<16xf32>
      %mul3A_135 = arith.mulf %get3A_134, %div3A_48 : vector<16xf32>
      %mul3A_136 = arith.constant 3 : i32
      %mul3A_137 = arith.muli %mul3A_136, %scan3A_20 : i32
      %add3A_138 = arith.constant 1 : i32
      %add3A_139 = arith.addi %mul3A_137, %add3A_138 : i32
      %get3A_140 = arith.index_cast %add3A_139 : i32 to index
      %get3A_141 = arith.constant 0 : index
      %get3A_142 = tpu.vector_load %arg9[%get3A_140, %get3A_141] {strides = array<i32>} : memref<192x256xf32, #tpu.memory_space<vmem>>, vector<1x16xf32>,
      %get3A_143 = vector.shape_cast %get3A_142 : vector<1x16xf32> to vector<16xf32>
      %mul3A_144 = arith.mulf %get3A_143, %div3A_78 : vector<16xf32>
      %add3A_145 = arith.addf %mul3A_135, %mul3A_144 : vector<16xf32>
      %mul3A_146 = arith.constant 3 : i32
      %mul3A_147 = arith.muli %mul3A_146, %scan3A_20 : i32
      %add3A_148 = arith.constant 2 : i32
      %add3A_149 = arith.addi %mul3A_147, %add3A_148 : i32
      %get3A_150 = arith.index_cast %add3A_149 : i32 to index
      %get3A_151 = arith.constant 0 : index
      %get3A_152 = tpu.vector_load %arg9[%get3A_150, %get3A_151] {strides = array<i32>} : memref<192x256xf32, #tpu.memory_space<vmem>>, vector<1x16xf32>,
      %get3A_153 = vector.shape_cast %get3A_152 : vector<1x16xf32> to vector<16xf32>
      %mul3A_154 = arith.mulf %get3A_153, %div3A_108 : vector<16xf32>
      %add3A_155 = arith.addf %add3A_145, %mul3A_154 : vector<16xf32>
      %mul3A_156 = arith.mulf %add3A_155, %div3A_128 : vector<16xf32>
      %swap3A_157 = arith.index_cast %scan3A_20 : i32 to index
      %swap3A_158 = arith.constant 0 : index
      %swap3A_159 = tpu.vector_load %arg12[%swap3A_157, %swap3A_158] {strides = array<i32>} : memref<64x256xf32, #tpu.memory_space<vmem>>, vector<1x16xf32>,
      %swap3A_160 = vector.shape_cast %swap3A_159 : vector<1x16xf32> to vector<16xf32>
      %swap3A_161 = vector.shape_cast %mul3A_156 : vector<16xf32> to vector<1x16xf32>
      tpu.vector_store %arg12[%swap3A_157, %swap3A_158], %swap3A_161 {strides = array<i32>} : memref<64x256xf32, #tpu.memory_space<vmem>>, vector<1x16xf32>,
      %mul3A_162 = arith.constant 3 : i32
      %mul3A_163 = arith.muli %mul3A_162, %scan3A_20 : i32
      %get3A_164 = arith.index_cast %mul3A_163 : i32 to index
      %get3A_165 = arith.constant 16 : index
      %get3A_166 = tpu.vector_load %arg9[%get3A_164, %get3A_165] {strides = array<i32>} : memref<192x256xf32, #tpu.memory_space<vmem>>, vector<1x16xf32>,
      %get3A_167 = vector.shape_cast %get3A_166 : vector<1x16xf32> to vector<16xf32>
      %mul3A_168 = arith.mulf %get3A_167, %div3A_48 : vector<16xf32>
      %mul3A_169 = arith.constant 3 : i32
      %mul3A_170 = arith.muli %mul3A_169, %scan3A_20 : i32
      %add3A_171 = arith.constant 1 : i32
      %add3A_172 = arith.addi %mul3A_170, %add3A_171 : i32
      %get3A_173 = arith.index_cast %add3A_172 : i32 to index
      %get3A_174 = arith.constant 16 : index
      %get3A_175 = tpu.vector_load %arg9[%get3A_173, %get3A_174] {strides = array<i32>} : memref<192x256xf32, #tpu.memory_space<vmem>>, vector<1x16xf32>,
      %get3A_176 = vector.shape_cast %get3A_175 : vector<1x16xf32> to vector<16xf32>
      %mul3A_177 = arith.mulf %get3A_176, %div3A_78 : vector<16xf32>
      %add3A_178 = arith.addf %mul3A_168, %mul3A_177 : vector<16xf32>
      %mul3A_179 = arith.constant 3 : i32
      %mul3A_180 = arith.muli %mul3A_179, %scan3A_20 : i32
      %add3A_181 = arith.constant 2 : i32
      %add3A_182 = arith.addi %mul3A_180, %add3A_181 : i32
      %get3A_183 = arith.index_cast %add3A_182 : i32 to index
      %get3A_184 = arith.constant 16 : index
      %get3A_185 = tpu.vector_load %arg9[%get3A_183, %get3A_184] {strides = array<i32>} : memref<192x256xf32, #tpu.memory_space<vmem>>, vector<1x16xf32>,
      %get3A_186 = vector.shape_cast %get3A_185 : vector<1x16xf32> to vector<16xf32>
      %mul3A_187 = arith.mulf %get3A_186, %div3A_108 : vector<16xf32>
      %add3A_188 = arith.addf %add3A_178, %mul3A_187 : vector<16xf32>
      %mul3A_189 = arith.mulf %add3A_188, %div3A_128 : vector<16xf32>
      %swap3A_190 = arith.index_cast %scan3A_20 : i32 to index
      %swap3A_191 = arith.constant 16 : index
      %swap3A_192 = tpu.vector_load %arg12[%swap3A_190, %swap3A_191] {strides = array<i32>} : memref<64x256xf32, #tpu.memory_space<vmem>>, vector<1x16xf32>,
      %swap3A_193 = vector.shape_cast %swap3A_192 : vector<1x16xf32> to vector<16xf32>
      %swap3A_194 = vector.shape_cast %mul3A_189 : vector<16xf32> to vector<1x16xf32>
      tpu.vector_store %arg12[%swap3A_190, %swap3A_191], %swap3A_194 {strides = array<i32>} : memref<64x256xf32, #tpu.memory_space<vmem>>, vector<1x16xf32>,
      %mul3A_195 = arith.constant 3 : i32
      %mul3A_196 = arith.muli %mul3A_195, %scan3A_20 : i32
      %get3A_197 = arith.index_cast %mul3A_196 : i32 to index
      %get3A_198 = arith.constant 32 : index
      %get3A_199 = tpu.vector_load %arg9[%get3A_197, %get3A_198] {strides = array<i32>} : memref<192x256xf32, #tpu.memory_space<vmem>>, vector<1x16xf32>,
      %get3A_200 = vector.shape_cast %get3A_199 : vector<1x16xf32> to vector<16xf32>
      %mul3A_201 = arith.mulf %get3A_200, %div3A_48 : vector<16xf32>
      %mul3A_202 = arith.constant 3 : i32
      %mul3A_203 = arith.muli %mul3A_202, %scan3A_20 : i32
      %add3A_204 = arith.constant 1 : i32
      %add3A_205 = arith.addi %mul3A_203, %add3A_204 : i32
      %get3A_206 = arith.index_cast %add3A_205 : i32 to index
      %get3A_207 = arith.constant 32 : index
      %get3A_208 = tpu.vector_load %arg9[%get3A_206, %get3A_207] {strides = array<i32>} : memref<192x256xf32, #tpu.memory_space<vmem>>, vector<1x16xf32>,
      %get3A_209 = vector.shape_cast %get3A_208 : vector<1x16xf32> to vector<16xf32>
      %mul3A_210 = arith.mulf %get3A_209, %div3A_78 : vector<16xf32>
      %add3A_211 = arith.addf %mul3A_201, %mul3A_210 : vector<16xf32>
      %mul3A_212 = arith.constant 3 : i32
      %mul3A_213 = arith.muli %mul3A_212, %scan3A_20 : i32
      %add3A_214 = arith.constant 2 : i32
      %add3A_215 = arith.addi %mul3A_213, %add3A_214 : i32
      %get3A_216 = arith.index_cast %add3A_215 : i32 to index
      %get3A_217 = arith.constant 32 : index
      %get3A_218 = tpu.vector_load %arg9[%get3A_216, %get3A_217] {strides = array<i32>} : memref<192x256xf32, #tpu.memory_space<vmem>>, vector<1x16xf32>,
      %get3A_219 = vector.shape_cast %get3A_218 : vector<1x16xf32> to vector<16xf32>
      %mul3A_220 = arith.mulf %get3A_219, %div3A_108 : vector<16xf32>
      %add3A_221 = arith.addf %add3A_211, %mul3A_220 : vector<16xf32>
      %mul3A_222 = arith.mulf %add3A_221, %div3A_128 : vector<16xf32>
      %swap3A_223 = arith.index_cast %scan3A_20 : i32 to index
      %swap3A_224 = arith.constant 32 : index
      %swap3A_225 = tpu.vector_load %arg12[%swap3A_223, %swap3A_224] {strides = array<i32>} : memref<64x256xf32, #tpu.memory_space<vmem>>, vector<1x16xf32>,
      %swap3A_226 = vector.shape_cast %swap3A_225 : vector<1x16xf32> to vector<16xf32>
      %swap3A_227 = vector.shape_cast %mul3A_222 : vector<16xf32> to vector<1x16xf32>
      tpu.vector_store %arg12[%swap3A_223, %swap3A_224], %swap3A_227 {strides = array<i32>} : memref<64x256xf32, #tpu.memory_space<vmem>>, vector<1x16xf32>,
      %mul3A_228 = arith.constant 3 : i32
      %mul3A_229 = arith.muli %mul3A_228, %scan3A_20 : i32
      %get3A_230 = arith.index_cast %mul3A_229 : i32 to index
      %get3A_231 = arith.constant 48 : index
      %get3A_232 = tpu.vector_load %arg9[%get3A_230, %get3A_231] {strides = array<i32>} : memref<192x256xf32, #tpu.memory_space<vmem>>, vector<1x16xf32>,
      %get3A_233 = vector.shape_cast %get3A_232 : vector<1x16xf32> to vector<16xf32>
      %mul3A_234 = arith.mulf %get3A_233, %div3A_48 : vector<16xf32>
      %mul3A_235 = arith.constant 3 : i32
      %mul3A_236 = arith.muli %mul3A_235, %scan3A_20 : i32
      %add3A_237 = arith.constant 1 : i32
      %add3A_238 = arith.addi %mul3A_236, %add3A_237 : i32
      %get3A_239 = arith.index_cast %add3A_238 : i32 to index
      %get3A_240 = arith.constant 48 : index
      %get3A_241 = tpu.vector_load %arg9[%get3A_239, %get3A_240] {strides = array<i32>} : memref<192x256xf32, #tpu.memory_space<vmem>>, vector<1x16xf32>,
      %get3A_242 = vector.shape_cast %get3A_241 : vector<1x16xf32> to vector<16xf32>
      %mul3A_243 = arith.mulf %get3A_242, %div3A_78 : vector<16xf32>
      %add3A_244 = arith.addf %mul3A_234, %mul3A_243 : vector<16xf32>
      %mul3A_245 = arith.constant 3 : i32
      %mul3A_246 = arith.muli %mul3A_245, %scan3A_20 : i32
      %add3A_247 = arith.constant 2 : i32
      %add3A_248 = arith.addi %mul3A_246, %add3A_247 : i32
      %get3A_249 = arith.index_cast %add3A_248 : i32 to index
      %get3A_250 = arith.constant 48 : index
      %get3A_251 = tpu.vector_load %arg9[%get3A_249, %get3A_250] {strides = array<i32>} : memref<192x256xf32, #tpu.memory_space<vmem>>, vector<1x16xf32>,
      %get3A_252 = vector.shape_cast %get3A_251 : vector<1x16xf32> to vector<16xf32>
      %mul3A_253 = arith.mulf %get3A_252, %div3A_108 : vector<16xf32>
      %add3A_254 = arith.addf %add3A_244, %mul3A_253 : vector<16xf32>
      %mul3A_255 = arith.mulf %add3A_254, %div3A_128 : vector<16xf32>
      %swap3A_256 = arith.index_cast %scan3A_20 : i32 to index
      %swap3A_257 = arith.constant 48 : index
      %swap3A_258 = tpu.vector_load %arg12[%swap3A_256, %swap3A_257] {strides = array<i32>} : memref<64x256xf32, #tpu.memory_space<vmem>>, vector<1x16xf32>,
      %swap3A_259 = vector.shape_cast %swap3A_258 : vector<1x16xf32> to vector<16xf32>
      %swap3A_260 = vector.shape_cast %mul3A_255 : vector<16xf32> to vector<1x16xf32>
      tpu.vector_store %arg12[%swap3A_256, %swap3A_257], %swap3A_260 {strides = array<i32>} : memref<64x256xf32, #tpu.memory_space<vmem>>, vector<1x16xf32>,
      %mul3A_261 = arith.constant 3 : i32
      %mul3A_262 = arith.muli %mul3A_261, %scan3A_20 : i32
      %get3A_263 = arith.index_cast %mul3A_262 : i32 to index
      %get3A_264 = arith.constant 64 : index
      %get3A_265 = tpu.vector_load %arg9[%get3A_263, %get3A_264] {strides = array<i32>} : memref<192x256xf32, #tpu.memory_space<vmem>>, vector<1x16xf32>,
      %get3A_266 = vector.shape_cast %get3A_265 : vector<1x16xf32> to vector<16xf32>
      %mul3A_267 = arith.mulf %get3A_266, %div3A_48 : vector<16xf32>
      %mul3A_268 = arith.constant 3 : i32
      %mul3A_269 = arith.muli %mul3A_268, %scan3A_20 : i32
      %add3A_270 = arith.constant 1 : i32
      %add3A_271 = arith.addi %mul3A_269, %add3A_270 : i32
      %get3A_272 = arith.index_cast %add3A_271 : i32 to index
      %get3A_273 = arith.constant 64 : index
      %get3A_274 = tpu.vector_load %arg9[%get3A_272, %get3A_273] {strides = array<i32>} : memref<192x256xf32, #tpu.memory_space<vmem>>, vector<1x16xf32>,
      %get3A_275 = vector.shape_cast %get3A_274 : vector<1x16xf32> to vector<16xf32>
      %mul3A_276 = arith.mulf %get3A_275, %div3A_78 : vector<16xf32>
      %add3A_277 = arith.addf %mul3A_267, %mul3A_276 : vector<16xf32>
      %mul3A_278 = arith.constant 3 : i32
      %mul3A_279 = arith.muli %mul3A_278, %scan3A_20 : i32
      %add3A_280 = arith.constant 2 : i32
      %add3A_281 = arith.addi %mul3A_279, %add3A_280 : i32
      %get3A_282 = arith.index_cast %add3A_281 : i32 to index
      %get3A_283 = arith.constant 64 : index
      %get3A_284 = tpu.vector_load %arg9[%get3A_282, %get3A_283] {strides = array<i32>} : memref<192x256xf32, #tpu.memory_space<vmem>>, vector<1x16xf32>,
      %get3A_285 = vector.shape_cast %get3A_284 : vector<1x16xf32> to vector<16xf32>
      %mul3A_286 = arith.mulf %get3A_285, %div3A_108 : vector<16xf32>
      %add3A_287 = arith.addf %add3A_277, %mul3A_286 : vector<16xf32>
      %mul3A_288 = arith.mulf %add3A_287, %div3A_128 : vector<16xf32>
      %swap3A_289 = arith.index_cast %scan3A_20 : i32 to index
      %swap3A_290 = arith.constant 64 : index
      %swap3A_291 = tpu.vector_load %arg12[%swap3A_289, %swap3A_290] {strides = array<i32>} : memref<64x256xf32, #tpu.memory_space<vmem>>, vector<1x16xf32>,
      %swap3A_292 = vector.shape_cast %swap3A_291 : vector<1x16xf32> to vector<16xf32>
      %swap3A_293 = vector.shape_cast %mul3A_288 : vector<16xf32> to vector<1x16xf32>
      tpu.vector_store %arg12[%swap3A_289, %swap3A_290], %swap3A_293 {strides = array<i32>} : memref<64x256xf32, #tpu.memory_space<vmem>>, vector<1x16xf32>,
      %mul3A_294 = arith.constant 3 : i32
      %mul3A_295 = arith.muli %mul3A_294, %scan3A_20 : i32
      %get3A_296 = arith.index_cast %mul3A_295 : i32 to index
      %get3A_297 = arith.constant 80 : index
      %get3A_298 = tpu.vector_load %arg9[%get3A_296, %get3A_297] {strides = array<i32>} : memref<192x256xf32, #tpu.memory_space<vmem>>, vector<1x16xf32>,
      %get3A_299 = vector.shape_cast %get3A_298 : vector<1x16xf32> to vector<16xf32>
      %mul3A_300 = arith.mulf %get3A_299, %div3A_48 : vector<16xf32>
      %mul3A_301 = arith.constant 3 : i32
      %mul3A_302 = arith.muli %mul3A_301, %scan3A_20 : i32
      %add3A_303 = arith.constant 1 : i32
      %add3A_304 = arith.addi %mul3A_302, %add3A_303 : i32
      %get3A_305 = arith.index_cast %add3A_304 : i32 to index
      %get3A_306 = arith.constant 80 : index
      %get3A_307 = tpu.vector_load %arg9[%get3A_305, %get3A_306] {strides = array<i32>} : memref<192x256xf32, #tpu.memory_space<vmem>>, vector<1x16xf32>,
      %get3A_308 = vector.shape_cast %get3A_307 : vector<1x16xf32> to vector<16xf32>
      %mul3A_309 = arith.mulf %get3A_308, %div3A_78 : vector<16xf32>
      %add3A_310 = arith.addf %mul3A_300, %mul3A_309 : vector<16xf32>
      %mul3A_311 = arith.constant 3 : i32
      %mul3A_312 = arith.muli %mul3A_311, %scan3A_20 : i32
      %add3A_313 = arith.constant 2 : i32
      %add3A_314 = arith.addi %mul3A_312, %add3A_313 : i32
      %get3A_315 = arith.index_cast %add3A_314 : i32 to index
      %get3A_316 = arith.constant 80 : index
      %get3A_317 = tpu.vector_load %arg9[%get3A_315, %get3A_316] {strides = array<i32>} : memref<192x256xf32, #tpu.memory_space<vmem>>, vector<1x16xf32>,
      %get3A_318 = vector.shape_cast %get3A_317 : vector<1x16xf32> to vector<16xf32>
      %mul3A_319 = arith.mulf %get3A_318, %div3A_108 : vector<16xf32>
      %add3A_320 = arith.addf %add3A_310, %mul3A_319 : vector<16xf32>
      %mul3A_321 = arith.mulf %add3A_320, %div3A_128 : vector<16xf32>
      %swap3A_322 = arith.index_cast %scan3A_20 : i32 to index
      %swap3A_323 = arith.constant 80 : index
      %swap3A_324 = tpu.vector_load %arg12[%swap3A_322, %swap3A_323] {strides = array<i32>} : memref<64x256xf32, #tpu.memory_space<vmem>>, vector<1x16xf32>,
      %swap3A_325 = vector.shape_cast %swap3A_324 : vector<1x16xf32> to vector<16xf32>
      %swap3A_326 = vector.shape_cast %mul3A_321 : vector<16xf32> to vector<1x16xf32>
      tpu.vector_store %arg12[%swap3A_322, %swap3A_323], %swap3A_326 {strides = array<i32>} : memref<64x256xf32, #tpu.memory_space<vmem>>, vector<1x16xf32>,
      %mul3A_327 = arith.constant 3 : i32
      %mul3A_328 = arith.muli %mul3A_327, %scan3A_20 : i32
      %get3A_329 = arith.index_cast %mul3A_328 : i32 to index
      %get3A_330 = arith.constant 96 : index
      %get3A_331 = tpu.vector_load %arg9[%get3A_329, %get3A_330] {strides = array<i32>} : memref<192x256xf32, #tpu.memory_space<vmem>>, vector<1x16xf32>,
      %get3A_332 = vector.shape_cast %get3A_331 : vector<1x16xf32> to vector<16xf32>
      %mul3A_333 = arith.mulf %get3A_332, %div3A_48 : vector<16xf32>
      %mul3A_334 = arith.constant 3 : i32
      %mul3A_335 = arith.muli %mul3A_334, %scan3A_20 : i32
      %add3A_336 = arith.constant 1 : i32
      %add3A_337 = arith.addi %mul3A_335, %add3A_336 : i32
      %get3A_338 = arith.index_cast %add3A_337 : i32 to index
      %get3A_339 = arith.constant 96 : index
      %get3A_340 = tpu.vector_load %arg9[%get3A_338, %get3A_339] {strides = array<i32>} : memref<192x256xf32, #tpu.memory_space<vmem>>, vector<1x16xf32>,
      %get3A_341 = vector.shape_cast %get3A_340 : vector<1x16xf32> to vector<16xf32>
      %mul3A_342 = arith.mulf %get3A_341, %div3A_78 : vector<16xf32>
      %add3A_343 = arith.addf %mul3A_333, %mul3A_342 : vector<16xf32>
      %mul3A_344 = arith.constant 3 : i32
      %mul3A_345 = arith.muli %mul3A_344, %scan3A_20 : i32
      %add3A_346 = arith.constant 2 : i32
      %add3A_347 = arith.addi %mul3A_345, %add3A_346 : i32
      %get3A_348 = arith.index_cast %add3A_347 : i32 to index
      %get3A_349 = arith.constant 96 : index
      %get3A_350 = tpu.vector_load %arg9[%get3A_348, %get3A_349] {strides = array<i32>} : memref<192x256xf32, #tpu.memory_space<vmem>>, vector<1x16xf32>,
      %get3A_351 = vector.shape_cast %get3A_350 : vector<1x16xf32> to vector<16xf32>
      %mul3A_352 = arith.mulf %get3A_351, %div3A_108 : vector<16xf32>
      %add3A_353 = arith.addf %add3A_343, %mul3A_352 : vector<16xf32>
      %mul3A_354 = arith.mulf %add3A_353, %div3A_128 : vector<16xf32>
      %swap3A_355 = arith.index_cast %scan3A_20 : i32 to index
      %swap3A_356 = arith.constant 96 : index
      %swap3A_357 = tpu.vector_load %arg12[%swap3A_355, %swap3A_356] {strides = array<i32>} : memref<64x256xf32, #tpu.memory_space<vmem>>, vector<1x16xf32>,
      %swap3A_358 = vector.shape_cast %swap3A_357 : vector<1x16xf32> to vector<16xf32>
      %swap3A_359 = vector.shape_cast %mul3A_354 : vector<16xf32> to vector<1x16xf32>
      tpu.vector_store %arg12[%swap3A_355, %swap3A_356], %swap3A_359 {strides = array<i32>} : memref<64x256xf32, #tpu.memory_space<vmem>>, vector<1x16xf32>,
      %mul3A_360 = arith.constant 3 : i32
      %mul3A_361 = arith.muli %mul3A_360, %scan3A_20 : i32
      %get3A_362 = arith.index_cast %mul3A_361 : i32 to index
      %get3A_363 = arith.constant 112 : index
      %get3A_364 = tpu.vector_load %arg9[%get3A_362, %get3A_363] {strides = array<i32>} : memref<192x256xf32, #tpu.memory_space<vmem>>, vector<1x16xf32>,
      %get3A_365 = vector.shape_cast %get3A_364 : vector<1x16xf32> to vector<16xf32>
      %mul3A_366 = arith.mulf %get3A_365, %div3A_48 : vector<16xf32>
      %mul3A_367 = arith.constant 3 : i32
      %mul3A_368 = arith.muli %mul3A_367, %scan3A_20 : i32
      %add3A_369 = arith.constant 1 : i32
      %add3A_370 = arith.addi %mul3A_368, %add3A_369 : i32
      %get3A_371 = arith.index_cast %add3A_370 : i32 to index
      %get3A_372 = arith.constant 112 : index
      %get3A_373 = tpu.vector_load %arg9[%get3A_371, %get3A_372] {strides = array<i32>} : memref<192x256xf32, #tpu.memory_space<vmem>>, vector<1x16xf32>,
      %get3A_374 = vector.shape_cast %get3A_373 : vector<1x16xf32> to vector<16xf32>
      %mul3A_375 = arith.mulf %get3A_374, %div3A_78 : vector<16xf32>
      %add3A_376 = arith.addf %mul3A_366, %mul3A_375 : vector<16xf32>
      %mul3A_377 = arith.constant 3 : i32
      %mul3A_378 = arith.muli %mul3A_377, %scan3A_20 : i32
      %add3A_379 = arith.constant 2 : i32
      %add3A_380 = arith.addi %mul3A_378, %add3A_379 : i32
      %get3A_381 = arith.index_cast %add3A_380 : i32 to index
      %get3A_382 = arith.constant 112 : index
      %get3A_383 = tpu.vector_load %arg9[%get3A_381, %get3A_382] {strides = array<i32>} : memref<192x256xf32, #tpu.memory_space<vmem>>, vector<1x16xf32>,
      %get3A_384 = vector.shape_cast %get3A_383 : vector<1x16xf32> to vector<16xf32>
      %mul3A_385 = arith.mulf %get3A_384, %div3A_108 : vector<16xf32>
      %add3A_386 = arith.addf %add3A_376, %mul3A_385 : vector<16xf32>
      %mul3A_387 = arith.mulf %add3A_386, %div3A_128 : vector<16xf32>
      %swap3A_388 = arith.index_cast %scan3A_20 : i32 to index
      %swap3A_389 = arith.constant 112 : index
      %swap3A_390 = tpu.vector_load %arg12[%swap3A_388, %swap3A_389] {strides = array<i32>} : memref<64x256xf32, #tpu.memory_space<vmem>>, vector<1x16xf32>,
      %swap3A_391 = vector.shape_cast %swap3A_390 : vector<1x16xf32> to vector<16xf32>
      %swap3A_392 = vector.shape_cast %mul3A_387 : vector<16xf32> to vector<1x16xf32>
      tpu.vector_store %arg12[%swap3A_388, %swap3A_389], %swap3A_392 {strides = array<i32>} : memref<64x256xf32, #tpu.memory_space<vmem>>, vector<1x16xf32>,
      %mul3A_393 = arith.constant 3 : i32
      %mul3A_394 = arith.muli %mul3A_393, %scan3A_20 : i32
      %get3A_395 = arith.index_cast %mul3A_394 : i32 to index
      %get3A_396 = arith.constant 128 : index
      %get3A_397 = tpu.vector_load %arg9[%get3A_395, %get3A_396] {strides = array<i32>} : memref<192x256xf32, #tpu.memory_space<vmem>>, vector<1x16xf32>,
      %get3A_398 = vector.shape_cast %get3A_397 : vector<1x16xf32> to vector<16xf32>
      %mul3A_399 = arith.mulf %get3A_398, %div3A_48 : vector<16xf32>
      %mul3A_400 = arith.constant 3 : i32
      %mul3A_401 = arith.muli %mul3A_400, %scan3A_20 : i32
      %add3A_402 = arith.constant 1 : i32
      %add3A_403 = arith.addi %mul3A_401, %add3A_402 : i32
      %get3A_404 = arith.index_cast %add3A_403 : i32 to index
      %get3A_405 = arith.constant 128 : index
      %get3A_406 = tpu.vector_load %arg9[%get3A_404, %get3A_405] {strides = array<i32>} : memref<192x256xf32, #tpu.memory_space<vmem>>, vector<1x16xf32>,
      %get3A_407 = vector.shape_cast %get3A_406 : vector<1x16xf32> to vector<16xf32>
      %mul3A_408 = arith.mulf %get3A_407, %div3A_78 : vector<16xf32>
      %add3A_409 = arith.addf %mul3A_399, %mul3A_408 : vector<16xf32>
      %mul3A_410 = arith.constant 3 : i32
      %mul3A_411 = arith.muli %mul3A_410, %scan3A_20 : i32
      %add3A_412 = arith.constant 2 : i32
      %add3A_413 = arith.addi %mul3A_411, %add3A_412 : i32
      %get3A_414 = arith.index_cast %add3A_413 : i32 to index
      %get3A_415 = arith.constant 128 : index
      %get3A_416 = tpu.vector_load %arg9[%get3A_414, %get3A_415] {strides = array<i32>} : memref<192x256xf32, #tpu.memory_space<vmem>>, vector<1x16xf32>,
      %get3A_417 = vector.shape_cast %get3A_416 : vector<1x16xf32> to vector<16xf32>
      %mul3A_418 = arith.mulf %get3A_417, %div3A_108 : vector<16xf32>
      %add3A_419 = arith.addf %add3A_409, %mul3A_418 : vector<16xf32>
      %mul3A_420 = arith.mulf %add3A_419, %div3A_128 : vector<16xf32>
      %swap3A_421 = arith.index_cast %scan3A_20 : i32 to index
      %swap3A_422 = arith.constant 128 : index
      %swap3A_423 = tpu.vector_load %arg12[%swap3A_421, %swap3A_422] {strides = array<i32>} : memref<64x256xf32, #tpu.memory_space<vmem>>, vector<1x16xf32>,
      %swap3A_424 = vector.shape_cast %swap3A_423 : vector<1x16xf32> to vector<16xf32>
      %swap3A_425 = vector.shape_cast %mul3A_420 : vector<16xf32> to vector<1x16xf32>
      tpu.vector_store %arg12[%swap3A_421, %swap3A_422], %swap3A_425 {strides = array<i32>} : memref<64x256xf32, #tpu.memory_space<vmem>>, vector<1x16xf32>,
      %mul3A_426 = arith.constant 3 : i32
      %mul3A_427 = arith.muli %mul3A_426, %scan3A_20 : i32
      %get3A_428 = arith.index_cast %mul3A_427 : i32 to index
      %get3A_429 = arith.constant 144 : index
      %get3A_430 = tpu.vector_load %arg9[%get3A_428, %get3A_429] {strides = array<i32>} : memref<192x256xf32, #tpu.memory_space<vmem>>, vector<1x16xf32>,
      %get3A_431 = vector.shape_cast %get3A_430 : vector<1x16xf32> to vector<16xf32>
      %mul3A_432 = arith.mulf %get3A_431, %div3A_48 : vector<16xf32>
      %mul3A_433 = arith.constant 3 : i32
      %mul3A_434 = arith.muli %mul3A_433, %scan3A_20 : i32
      %add3A_435 = arith.constant 1 : i32
      %add3A_436 = arith.addi %mul3A_434, %add3A_435 : i32
      %get3A_437 = arith.index_cast %add3A_436 : i32 to index
      %get3A_438 = arith.constant 144 : index
      %get3A_439 = tpu.vector_load %arg9[%get3A_437, %get3A_438] {strides = array<i32>} : memref<192x256xf32, #tpu.memory_space<vmem>>, vector<1x16xf32>,
      %get3A_440 = vector.shape_cast %get3A_439 : vector<1x16xf32> to vector<16xf32>
      %mul3A_441 = arith.mulf %get3A_440, %div3A_78 : vector<16xf32>
      %add3A_442 = arith.addf %mul3A_432, %mul3A_441 : vector<16xf32>
      %mul3A_443 = arith.constant 3 : i32
      %mul3A_444 = arith.muli %mul3A_443, %scan3A_20 : i32
      %add3A_445 = arith.constant 2 : i32
      %add3A_446 = arith.addi %mul3A_444, %add3A_445 : i32
      %get3A_447 = arith.index_cast %add3A_446 : i32 to index
      %get3A_448 = arith.constant 144 : index
      %get3A_449 = tpu.vector_load %arg9[%get3A_447, %get3A_448] {strides = array<i32>} : memref<192x256xf32, #tpu.memory_space<vmem>>, vector<1x16xf32>,
      %get3A_450 = vector.shape_cast %get3A_449 : vector<1x16xf32> to vector<16xf32>
      %mul3A_451 = arith.mulf %get3A_450, %div3A_108 : vector<16xf32>
      %add3A_452 = arith.addf %add3A_442, %mul3A_451 : vector<16xf32>
      %mul3A_453 = arith.mulf %add3A_452, %div3A_128 : vector<16xf32>
      %swap3A_454 = arith.index_cast %scan3A_20 : i32 to index
      %swap3A_455 = arith.constant 144 : index
      %swap3A_456 = tpu.vector_load %arg12[%swap3A_454, %swap3A_455] {strides = array<i32>} : memref<64x256xf32, #tpu.memory_space<vmem>>, vector<1x16xf32>,
      %swap3A_457 = vector.shape_cast %swap3A_456 : vector<1x16xf32> to vector<16xf32>
      %swap3A_458 = vector.shape_cast %mul3A_453 : vector<16xf32> to vector<1x16xf32>
      tpu.vector_store %arg12[%swap3A_454, %swap3A_455], %swap3A_458 {strides = array<i32>} : memref<64x256xf32, #tpu.memory_space<vmem>>, vector<1x16xf32>,
      %mul3A_459 = arith.constant 3 : i32
      %mul3A_460 = arith.muli %mul3A_459, %scan3A_20 : i32
      %get3A_461 = arith.index_cast %mul3A_460 : i32 to index
      %get3A_462 = arith.constant 160 : index
      %get3A_463 = tpu.vector_load %arg9[%get3A_461, %get3A_462] {strides = array<i32>} : memref<192x256xf32, #tpu.memory_space<vmem>>, vector<1x16xf32>,
      %get3A_464 = vector.shape_cast %get3A_463 : vector<1x16xf32> to vector<16xf32>
      %mul3A_465 = arith.mulf %get3A_464, %div3A_48 : vector<16xf32>
      %mul3A_466 = arith.constant 3 : i32
      %mul3A_467 = arith.muli %mul3A_466, %scan3A_20 : i32
      %add3A_468 = arith.constant 1 : i32
      %add3A_469 = arith.addi %mul3A_467, %add3A_468 : i32
      %get3A_470 = arith.index_cast %add3A_469 : i32 to index
      %get3A_471 = arith.constant 160 : index
      %get3A_472 = tpu.vector_load %arg9[%get3A_470, %get3A_471] {strides = array<i32>} : memref<192x256xf32, #tpu.memory_space<vmem>>, vector<1x16xf32>,
      %get3A_473 = vector.shape_cast %get3A_472 : vector<1x16xf32> to vector<16xf32>
      %mul3A_474 = arith.mulf %get3A_473, %div3A_78 : vector<16xf32>
      %add3A_475 = arith.addf %mul3A_465, %mul3A_474 : vector<16xf32>
      %mul3A_476 = arith.constant 3 : i32
      %mul3A_477 = arith.muli %mul3A_476, %scan3A_20 : i32
      %add3A_478 = arith.constant 2 : i32
      %add3A_479 = arith.addi %mul3A_477, %add3A_478 : i32
      %get3A_480 = arith.index_cast %add3A_479 : i32 to index
      %get3A_481 = arith.constant 160 : index
      %get3A_482 = tpu.vector_load %arg9[%get3A_480, %get3A_481] {strides = array<i32>} : memref<192x256xf32, #tpu.memory_space<vmem>>, vector<1x16xf32>,
      %get3A_483 = vector.shape_cast %get3A_482 : vector<1x16xf32> to vector<16xf32>
      %mul3A_484 = arith.mulf %get3A_483, %div3A_108 : vector<16xf32>
      %add3A_485 = arith.addf %add3A_475, %mul3A_484 : vector<16xf32>
      %mul3A_486 = arith.mulf %add3A_485, %div3A_128 : vector<16xf32>
      %swap3A_487 = arith.index_cast %scan3A_20 : i32 to index
      %swap3A_488 = arith.constant 160 : index
      %swap3A_489 = tpu.vector_load %arg12[%swap3A_487, %swap3A_488] {strides = array<i32>} : memref<64x256xf32, #tpu.memory_space<vmem>>, vector<1x16xf32>,
      %swap3A_490 = vector.shape_cast %swap3A_489 : vector<1x16xf32> to vector<16xf32>
      %swap3A_491 = vector.shape_cast %mul3A_486 : vector<16xf32> to vector<1x16xf32>
      tpu.vector_store %arg12[%swap3A_487, %swap3A_488], %swap3A_491 {strides = array<i32>} : memref<64x256xf32, #tpu.memory_space<vmem>>, vector<1x16xf32>,
      %mul3A_492 = arith.constant 3 : i32
      %mul3A_493 = arith.muli %mul3A_492, %scan3A_20 : i32
      %get3A_494 = arith.index_cast %mul3A_493 : i32 to index
      %get3A_495 = arith.constant 176 : index
      %get3A_496 = tpu.vector_load %arg9[%get3A_494, %get3A_495] {strides = array<i32>} : memref<192x256xf32, #tpu.memory_space<vmem>>, vector<1x16xf32>,
      %get3A_497 = vector.shape_cast %get3A_496 : vector<1x16xf32> to vector<16xf32>
      %mul3A_498 = arith.mulf %get3A_497, %div3A_48 : vector<16xf32>
      %mul3A_499 = arith.constant 3 : i32
      %mul3A_500 = arith.muli %mul3A_499, %scan3A_20 : i32
      %add3A_501 = arith.constant 1 : i32
      %add3A_502 = arith.addi %mul3A_500, %add3A_501 : i32
      %get3A_503 = arith.index_cast %add3A_502 : i32 to index
      %get3A_504 = arith.constant 176 : index
      %get3A_505 = tpu.vector_load %arg9[%get3A_503, %get3A_504] {strides = array<i32>} : memref<192x256xf32, #tpu.memory_space<vmem>>, vector<1x16xf32>,
      %get3A_506 = vector.shape_cast %get3A_505 : vector<1x16xf32> to vector<16xf32>
      %mul3A_507 = arith.mulf %get3A_506, %div3A_78 : vector<16xf32>
      %add3A_508 = arith.addf %mul3A_498, %mul3A_507 : vector<16xf32>
      %mul3A_509 = arith.constant 3 : i32
      %mul3A_510 = arith.muli %mul3A_509, %scan3A_20 : i32
      %add3A_511 = arith.constant 2 : i32
      %add3A_512 = arith.addi %mul3A_510, %add3A_511 : i32
      %get3A_513 = arith.index_cast %add3A_512 : i32 to index
      %get3A_514 = arith.constant 176 : index
      %get3A_515 = tpu.vector_load %arg9[%get3A_513, %get3A_514] {strides = array<i32>} : memref<192x256xf32, #tpu.memory_space<vmem>>, vector<1x16xf32>,
      %get3A_516 = vector.shape_cast %get3A_515 : vector<1x16xf32> to vector<16xf32>
      %mul3A_517 = arith.mulf %get3A_516, %div3A_108 : vector<16xf32>
      %add3A_518 = arith.addf %add3A_508, %mul3A_517 : vector<16xf32>
      %mul3A_519 = arith.mulf %add3A_518, %div3A_128 : vector<16xf32>
      %swap3A_520 = arith.index_cast %scan3A_20 : i32 to index
      %swap3A_521 = arith.constant 176 : index
      %swap3A_522 = tpu.vector_load %arg12[%swap3A_520, %swap3A_521] {strides = array<i32>} : memref<64x256xf32, #tpu.memory_space<vmem>>, vector<1x16xf32>,
      %swap3A_523 = vector.shape_cast %swap3A_522 : vector<1x16xf32> to vector<16xf32>
      %swap3A_524 = vector.shape_cast %mul3A_519 : vector<16xf32> to vector<1x16xf32>
      tpu.vector_store %arg12[%swap3A_520, %swap3A_521], %swap3A_524 {strides = array<i32>} : memref<64x256xf32, #tpu.memory_space<vmem>>, vector<1x16xf32>,
      %mul3A_525 = arith.constant 3 : i32
      %mul3A_526 = arith.muli %mul3A_525, %scan3A_20 : i32
      %get3A_527 = arith.index_cast %mul3A_526 : i32 to index
      %get3A_528 = arith.constant 192 : index
      %get3A_529 = tpu.vector_load %arg9[%get3A_527, %get3A_528] {strides = array<i32>} : memref<192x256xf32, #tpu.memory_space<vmem>>, vector<1x16xf32>,
      %get3A_530 = vector.shape_cast %get3A_529 : vector<1x16xf32> to vector<16xf32>
      %mul3A_531 = arith.mulf %get3A_530, %div3A_48 : vector<16xf32>
      %mul3A_532 = arith.constant 3 : i32
      %mul3A_533 = arith.muli %mul3A_532, %scan3A_20 : i32
      %add3A_534 = arith.constant 1 : i32
      %add3A_535 = arith.addi %mul3A_533, %add3A_534 : i32
      %get3A_536 = arith.index_cast %add3A_535 : i32 to index
      %get3A_537 = arith.constant 192 : index
      %get3A_538 = tpu.vector_load %arg9[%get3A_536, %get3A_537] {strides = array<i32>} : memref<192x256xf32, #tpu.memory_space<vmem>>, vector<1x16xf32>,
      %get3A_539 = vector.shape_cast %get3A_538 : vector<1x16xf32> to vector<16xf32>
      %mul3A_540 = arith.mulf %get3A_539, %div3A_78 : vector<16xf32>
      %add3A_541 = arith.addf %mul3A_531, %mul3A_540 : vector<16xf32>
      %mul3A_542 = arith.constant 3 : i32
      %mul3A_543 = arith.muli %mul3A_542, %scan3A_20 : i32
      %add3A_544 = arith.constant 2 : i32
      %add3A_545 = arith.addi %mul3A_543, %add3A_544 : i32
      %get3A_546 = arith.index_cast %add3A_545 : i32 to index
      %get3A_547 = arith.constant 192 : index
      %get3A_548 = tpu.vector_load %arg9[%get3A_546, %get3A_547] {strides = array<i32>} : memref<192x256xf32, #tpu.memory_space<vmem>>, vector<1x16xf32>,
      %get3A_549 = vector.shape_cast %get3A_548 : vector<1x16xf32> to vector<16xf32>
      %mul3A_550 = arith.mulf %get3A_549, %div3A_108 : vector<16xf32>
      %add3A_551 = arith.addf %add3A_541, %mul3A_550 : vector<16xf32>
      %mul3A_552 = arith.mulf %add3A_551, %div3A_128 : vector<16xf32>
      %swap3A_553 = arith.index_cast %scan3A_20 : i32 to index
      %swap3A_554 = arith.constant 192 : index
      %swap3A_555 = tpu.vector_load %arg12[%swap3A_553, %swap3A_554] {strides = array<i32>} : memref<64x256xf32, #tpu.memory_space<vmem>>, vector<1x16xf32>,
      %swap3A_556 = vector.shape_cast %swap3A_555 : vector<1x16xf32> to vector<16xf32>
      %swap3A_557 = vector.shape_cast %mul3A_552 : vector<16xf32> to vector<1x16xf32>
      tpu.vector_store %arg12[%swap3A_553, %swap3A_554], %swap3A_557 {strides = array<i32>} : memref<64x256xf32, #tpu.memory_space<vmem>>, vector<1x16xf32>,
      %mul3A_558 = arith.constant 3 : i32
      %mul3A_559 = arith.muli %mul3A_558, %scan3A_20 : i32
      %get3A_560 = arith.index_cast %mul3A_559 : i32 to index
      %get3A_561 = arith.constant 208 : index
      %get3A_562 = tpu.vector_load %arg9[%get3A_560, %get3A_561] {strides = array<i32>} : memref<192x256xf32, #tpu.memory_space<vmem>>, vector<1x16xf32>,
      %get3A_563 = vector.shape_cast %get3A_562 : vector<1x16xf32> to vector<16xf32>
      %mul3A_564 = arith.mulf %get3A_563, %div3A_48 : vector<16xf32>
      %mul3A_565 = arith.constant 3 : i32
      %mul3A_566 = arith.muli %mul3A_565, %scan3A_20 : i32
      %add3A_567 = arith.constant 1 : i32
      %add3A_568 = arith.addi %mul3A_566, %add3A_567 : i32
      %get3A_569 = arith.index_cast %add3A_568 : i32 to index
      %get3A_570 = arith.constant 208 : index
      %get3A_571 = tpu.vector_load %arg9[%get3A_569, %get3A_570] {strides = array<i32>} : memref<192x256xf32, #tpu.memory_space<vmem>>, vector<1x16xf32>,
      %get3A_572 = vector.shape_cast %get3A_571 : vector<1x16xf32> to vector<16xf32>
      %mul3A_573 = arith.mulf %get3A_572, %div3A_78 : vector<16xf32>
      %add3A_574 = arith.addf %mul3A_564, %mul3A_573 : vector<16xf32>
      %mul3A_575 = arith.constant 3 : i32
      %mul3A_576 = arith.muli %mul3A_575, %scan3A_20 : i32
      %add3A_577 = arith.constant 2 : i32
      %add3A_578 = arith.addi %mul3A_576, %add3A_577 : i32
      %get3A_579 = arith.index_cast %add3A_578 : i32 to index
      %get3A_580 = arith.constant 208 : index
      %get3A_581 = tpu.vector_load %arg9[%get3A_579, %get3A_580] {strides = array<i32>} : memref<192x256xf32, #tpu.memory_space<vmem>>, vector<1x16xf32>,
      %get3A_582 = vector.shape_cast %get3A_581 : vector<1x16xf32> to vector<16xf32>
      %mul3A_583 = arith.mulf %get3A_582, %div3A_108 : vector<16xf32>
      %add3A_584 = arith.addf %add3A_574, %mul3A_583 : vector<16xf32>
      %mul3A_585 = arith.mulf %add3A_584, %div3A_128 : vector<16xf32>
      %swap3A_586 = arith.index_cast %scan3A_20 : i32 to index
      %swap3A_587 = arith.constant 208 : index
      %swap3A_588 = tpu.vector_load %arg12[%swap3A_586, %swap3A_587] {strides = array<i32>} : memref<64x256xf32, #tpu.memory_space<vmem>>, vector<1x16xf32>,
      %swap3A_589 = vector.shape_cast %swap3A_588 : vector<1x16xf32> to vector<16xf32>
      %swap3A_590 = vector.shape_cast %mul3A_585 : vector<16xf32> to vector<1x16xf32>
      tpu.vector_store %arg12[%swap3A_586, %swap3A_587], %swap3A_590 {strides = array<i32>} : memref<64x256xf32, #tpu.memory_space<vmem>>, vector<1x16xf32>,
      %mul3A_591 = arith.constant 3 : i32
      %mul3A_592 = arith.muli %mul3A_591, %scan3A_20 : i32
      %get3A_593 = arith.index_cast %mul3A_592 : i32 to index
      %get3A_594 = arith.constant 224 : index
      %get3A_595 = tpu.vector_load %arg9[%get3A_593, %get3A_594] {strides = array<i32>} : memref<192x256xf32, #tpu.memory_space<vmem>>, vector<1x16xf32>,
      %get3A_596 = vector.shape_cast %get3A_595 : vector<1x16xf32> to vector<16xf32>
      %mul3A_597 = arith.mulf %get3A_596, %div3A_48 : vector<16xf32>
      %mul3A_598 = arith.constant 3 : i32
      %mul3A_599 = arith.muli %mul3A_598, %scan3A_20 : i32
      %add3A_600 = arith.constant 1 : i32
      %add3A_601 = arith.addi %mul3A_599, %add3A_600 : i32
      %get3A_602 = arith.index_cast %add3A_601 : i32 to index
      %get3A_603 = arith.constant 224 : index
      %get3A_604 = tpu.vector_load %arg9[%get3A_602, %get3A_603] {strides = array<i32>} : memref<192x256xf32, #tpu.memory_space<vmem>>, vector<1x16xf32>,
      %get3A_605 = vector.shape_cast %get3A_604 : vector<1x16xf32> to vector<16xf32>
      %mul3A_606 = arith.mulf %get3A_605, %div3A_78 : vector<16xf32>
      %add3A_607 = arith.addf %mul3A_597, %mul3A_606 : vector<16xf32>
      %mul3A_608 = arith.constant 3 : i32
      %mul3A_609 = arith.muli %mul3A_608, %scan3A_20 : i32
      %add3A_610 = arith.constant 2 : i32
      %add3A_611 = arith.addi %mul3A_609, %add3A_610 : i32
      %get3A_612 = arith.index_cast %add3A_611 : i32 to index
      %get3A_613 = arith.constant 224 : index
      %get3A_614 = tpu.vector_load %arg9[%get3A_612, %get3A_613] {strides = array<i32>} : memref<192x256xf32, #tpu.memory_space<vmem>>, vector<1x16xf32>,
      %get3A_615 = vector.shape_cast %get3A_614 : vector<1x16xf32> to vector<16xf32>
      %mul3A_616 = arith.mulf %get3A_615, %div3A_108 : vector<16xf32>
      %add3A_617 = arith.addf %add3A_607, %mul3A_616 : vector<16xf32>
      %mul3A_618 = arith.mulf %add3A_617, %div3A_128 : vector<16xf32>
      %swap3A_619 = arith.index_cast %scan3A_20 : i32 to index
      %swap3A_620 = arith.constant 224 : index
      %swap3A_621 = tpu.vector_load %arg12[%swap3A_619, %swap3A_620] {strides = array<i32>} : memref<64x256xf32, #tpu.memory_space<vmem>>, vector<1x16xf32>,
      %swap3A_622 = vector.shape_cast %swap3A_621 : vector<1x16xf32> to vector<16xf32>
      %swap3A_623 = vector.shape_cast %mul3A_618 : vector<16xf32> to vector<1x16xf32>
      tpu.vector_store %arg12[%swap3A_619, %swap3A_620], %swap3A_623 {strides = array<i32>} : memref<64x256xf32, #tpu.memory_space<vmem>>, vector<1x16xf32>,
      %mul3A_624 = arith.constant 3 : i32
      %mul3A_625 = arith.muli %mul3A_624, %scan3A_20 : i32
      %get3A_626 = arith.index_cast %mul3A_625 : i32 to index
      %get3A_627 = arith.constant 240 : index
      %get3A_628 = tpu.vector_load %arg9[%get3A_626, %get3A_627] {strides = array<i32>} : memref<192x256xf32, #tpu.memory_space<vmem>>, vector<1x16xf32>,
      %get3A_629 = vector.shape_cast %get3A_628 : vector<1x16xf32> to vector<16xf32>
      %mul3A_630 = arith.mulf %get3A_629, %div3A_48 : vector<16xf32>
      %mul3A_631 = arith.constant 3 : i32
      %mul3A_632 = arith.muli %mul3A_631, %scan3A_20 : i32
      %add3A_633 = arith.constant 1 : i32
      %add3A_634 = arith.addi %mul3A_632, %add3A_633 : i32
      %get3A_635 = arith.index_cast %add3A_634 : i32 to index
      %get3A_636 = arith.constant 240 : index
      %get3A_637 = tpu.vector_load %arg9[%get3A_635, %get3A_636] {strides = array<i32>} : memref<192x256xf32, #tpu.memory_space<vmem>>, vector<1x16xf32>,
      %get3A_638 = vector.shape_cast %get3A_637 : vector<1x16xf32> to vector<16xf32>
      %mul3A_639 = arith.mulf %get3A_638, %div3A_78 : vector<16xf32>
      %add3A_640 = arith.addf %mul3A_630, %mul3A_639 : vector<16xf32>
      %mul3A_641 = arith.constant 3 : i32
      %mul3A_642 = arith.muli %mul3A_641, %scan3A_20 : i32
      %add3A_643 = arith.constant 2 : i32
      %add3A_644 = arith.addi %mul3A_642, %add3A_643 : i32
      %get3A_645 = arith.index_cast %add3A_644 : i32 to index
      %get3A_646 = arith.constant 240 : index
      %get3A_647 = tpu.vector_load %arg9[%get3A_645, %get3A_646] {strides = array<i32>} : memref<192x256xf32, #tpu.memory_space<vmem>>, vector<1x16xf32>,
      %get3A_648 = vector.shape_cast %get3A_647 : vector<1x16xf32> to vector<16xf32>
      %mul3A_649 = arith.mulf %get3A_648, %div3A_108 : vector<16xf32>
      %add3A_650 = arith.addf %add3A_640, %mul3A_649 : vector<16xf32>
      %mul3A_651 = arith.mulf %add3A_650, %div3A_128 : vector<16xf32>
      %swap3A_652 = arith.index_cast %scan3A_20 : i32 to index
      %swap3A_653 = arith.constant 240 : index
      %swap3A_654 = tpu.vector_load %arg12[%swap3A_652, %swap3A_653] {strides = array<i32>} : memref<64x256xf32, #tpu.memory_space<vmem>>, vector<1x16xf32>,
      %swap3A_655 = vector.shape_cast %swap3A_654 : vector<1x16xf32> to vector<16xf32>
      %swap3A_656 = vector.shape_cast %mul3A_651 : vector<16xf32> to vector<1x16xf32>
      tpu.vector_store %arg12[%swap3A_652, %swap3A_653], %swap3A_656 {strides = array<i32>} : memref<64x256xf32, #tpu.memory_space<vmem>>, vector<1x16xf32>,
    }
    %scan3A_19 = arith.constant 64 : i32
    "tpu.region"() ({
      %run_scoped3A = tpu.sem_alloc : memref<!tpu.dma_semaphore, #tpu.memory_space<semaphore_mem>>
      %dma_start3A_20 = arith.constant 0 : i32
      %dma_start3A_21 = tpu.memref_slice %arg6[%mul3A_2, %dma_start3A_20] : memref<2048x256xf32, #tpu.memory_space<hbm>> -> memref<64x256xf32, #tpu.memory_space<hbm>>
      %dma_start3A_22 = arith.constant 0 : i32
      %dma_start3A_23 = tpu.memref_slice %arg6[%mul3A_2, %dma_start3A_22] : memref<2048x256xf32, #tpu.memory_space<hbm>> -> memref<64x256xf32, #tpu.memory_space<hbm>>
      tpu.enqueue_dma source(%arg12 : memref<64x256xf32, #tpu.memory_space<vmem>>) target(%dma_start3A_23 : memref<64x256xf32, #tpu.memory_space<hbm>>) target_semaphore(%run_scoped3A : memref<!tpu.dma_semaphore, #tpu.memory_space<semaphore_mem>>)
      %dma_wait3A_24 = arith.constant 0 : i32
      %dma_wait3A_25 = tpu.memref_slice %arg6[%mul3A_2, %dma_wait3A_24] : memref<2048x256xf32, #tpu.memory_space<hbm>> -> memref<64x256xf32, #tpu.memory_space<hbm>>
      %dma_wait3A_26 = arith.constant 0 : i32
      %dma_wait3A_27 = tpu.memref_slice %arg6[%mul3A_2, %dma_wait3A_26] : memref<2048x256xf32, #tpu.memory_space<hbm>> -> memref<64x256xf32, #tpu.memory_space<hbm>>
      tpu.wait_dma2 semaphore(%run_scoped3A : memref<!tpu.dma_semaphore, #tpu.memory_space<semaphore_mem>>) src(%arg12 : memref<64x256xf32, #tpu.memory_space<vmem>>) dst(%dma_wait3A_27 : memref<64x256xf32, #tpu.memory_space<hbm>>)
      tpu.yield
    }) : () -> ()
    "tpu.region"() ({
      %run_scoped3A = tpu.sem_alloc : memref<!tpu.dma_semaphore, #tpu.memory_space<semaphore_mem>>
      %dma_start3A_20 = arith.constant 0 : i32
      %dma_start3A_21 = tpu.memref_slice %arg7[%mul3A_2, %dma_start3A_20] : memref<2048x16xf32, #tpu.memory_space<hbm>> -> memref<64x16xf32, #tpu.memory_space<hbm>>
      %dma_start3A_22 = arith.constant 0 : i32
      %dma_start3A_23 = tpu.memref_slice %arg7[%mul3A_2, %dma_start3A_22] : memref<2048x16xf32, #tpu.memory_space<hbm>> -> memref<64x16xf32, #tpu.memory_space<hbm>>
      tpu.enqueue_dma source(%arg13 : memref<64x16xf32, #tpu.memory_space<vmem>>) target(%dma_start3A_23 : memref<64x16xf32, #tpu.memory_space<hbm>>) target_semaphore(%run_scoped3A : memref<!tpu.dma_semaphore, #tpu.memory_space<semaphore_mem>>)
      %dma_wait3A_24 = arith.constant 0 : i32
      %dma_wait3A_25 = tpu.memref_slice %arg7[%mul3A_2, %dma_wait3A_24] : memref<2048x16xf32, #tpu.memory_space<hbm>> -> memref<64x16xf32, #tpu.memory_space<hbm>>
      %dma_wait3A_26 = arith.constant 0 : i32
      %dma_wait3A_27 = tpu.memref_slice %arg7[%mul3A_2, %dma_wait3A_26] : memref<2048x16xf32, #tpu.memory_space<hbm>> -> memref<64x16xf32, #tpu.memory_space<hbm>>
      tpu.wait_dma2 semaphore(%run_scoped3A : memref<!tpu.dma_semaphore, #tpu.memory_space<semaphore_mem>>) src(%arg13 : memref<64x16xf32, #tpu.memory_space<vmem>>) dst(%dma_wait3A_27 : memref<64x16xf32, #tpu.memory_space<hbm>>)
      tpu.yield
    }) : () -> ()
    return
  }
}

module attributes {stable_mosaic.version = 14 : i64} {
  func.func @_top3_body(%arg0: i32, %arg1: memref<2048x8xf32, #tpu.memory_space<vmem>>, %arg2: memref<8x2048xf32, #tpu.memory_space<vmem>>, %arg3: memref<1x2048xf32, #tpu.memory_space<vmem>>, %arg4: memref<2048x1xf32, #tpu.memory_space<vmem>>, %arg5: memref<3x2048xi32, #tpu.memory_space<vmem>>, %arg6: memref<3x2048xf32, #tpu.memory_space<vmem>>, %arg7: memref<3x2048xf32, #tpu.memory_space<vmem>>) attributes {dimension_semantics = [#tpu.dimension_semantics<arbitrary>], iteration_bounds = array<i64: 25>, scalar_prefetch = 0 : i64, scratch_operands = 2 : i64, tpu.core_type = #tpu.core_type<tc>, window_params = [{transform_indices = @transform_0, window_bounds = array<i64: 2048, 8>}, {pipeline_mode = #tpu.pipeline_mode<synchronous>, transform_indices = @transform_1, window_bounds = array<i64: 8, 2048>}, {pipeline_mode = #tpu.pipeline_mode<synchronous>, transform_indices = @transform_2, window_bounds = array<i64: 1, 2048>}, {transform_indices = @transform_3, window_bounds = array<i64: 2048, 1>}, {pipeline_mode = #tpu.pipeline_mode<synchronous>, transform_indices = @transform_4, window_bounds = array<i64: 3, 2048>}]} {
    %eq3A = arith.constant 0 : i32
    %eq3A_0 = arith.cmpi eq, %arg0, %eq3A : i32
    %convert_element_type3A = arith.extui %eq3A_0 : i1 to i32
    %cond3A = arith.constant 0 : i32
    %cond3A_1 = arith.cmpi ne, %convert_element_type3A, %cond3A : i32
    scf.if %cond3A_1 {
      %broadcast_in_dim3A_133 = arith.constant 3.000000e+38 : f32
      %broadcast_in_dim3A_134 = vector.broadcast %broadcast_in_dim3A_133 : f32 to vector<3x2048xf32>
      %swap3A_135 = arith.constant 0 : index
      %swap3A_136 = arith.constant 0 : index
      %swap3A_137 = vector.load %arg6[%swap3A_135, %swap3A_136] : memref<3x2048xf32, #tpu.memory_space<vmem>>, vector<3x2048xf32>
      tpu.vector_store %arg6[%swap3A_135, %swap3A_136], %broadcast_in_dim3A_134 {strides = array<i32>} : memref<3x2048xf32, #tpu.memory_space<vmem>>, vector<3x2048xf32>,
      %broadcast_in_dim3A_138 = arith.constant 0.000000e+00 : f32
      %broadcast_in_dim3A_139 = vector.broadcast %broadcast_in_dim3A_138 : f32 to vector<3x2048xf32>
      %swap3A_140 = arith.constant 0 : index
      %swap3A_141 = arith.constant 0 : index
      %swap3A_142 = vector.load %arg7[%swap3A_140, %swap3A_141] : memref<3x2048xf32, #tpu.memory_space<vmem>>, vector<3x2048xf32>
      tpu.vector_store %arg7[%swap3A_140, %swap3A_141], %broadcast_in_dim3A_139 {strides = array<i32>} : memref<3x2048xf32, #tpu.memory_space<vmem>>, vector<3x2048xf32>,
    } else {
    }
    %get3A = arith.constant 0 : index
    %get3A_2 = arith.constant 0 : index
    %get3A_3 = vector.load %arg1[%get3A, %get3A_2] : memref<2048x8xf32, #tpu.memory_space<vmem>>, vector<2048x8xf32>
    %get3A_4 = arith.constant 0 : index
    %get3A_5 = arith.constant 0 : index
    %get3A_6 = vector.load %arg2[%get3A_4, %get3A_5] : memref<8x2048xf32, #tpu.memory_space<vmem>>, vector<8x2048xf32>
    %dot_general3A = arith.constant dense<0.000000e+00> : vector<2048x2048xf32>
    %dot_general3A_7 = tpu.matmul %get3A_3, %get3A_6, %dot_general3A {dimension_numbers = #tpu.dot_dimension_numbers<[1], [0], [0], [1], [0, 0, 1, 1], [], []>, transpose_lhs_hint = false} : vector<2048x8xf32>, vector<8x2048xf32>, vector<2048x2048xf32> -> vector<2048x2048xf32>
    %get3A_8 = arith.constant 0 : index
    %get3A_9 = arith.constant 0 : index
    %get3A_10 = vector.load %arg3[%get3A_8, %get3A_9] : memref<1x2048xf32, #tpu.memory_space<vmem>>, vector<1x2048xf32>
    %mul3A = arith.constant 2.000000e+00 : f32
    %mul3A_11 = vector.broadcast %mul3A : f32 to vector<2048x2048xf32>
    %mul3A_12 = arith.mulf %mul3A_11, %dot_general3A_7 : vector<2048x2048xf32>
    %sub3A = vector.broadcast %get3A_10 : vector<1x2048xf32> to vector<2048x2048xf32>
    %sub3A_13 = arith.subf %sub3A, %mul3A_12 : vector<2048x2048xf32>
    %get3A_14 = arith.constant 0 : index
    %get3A_15 = arith.constant 0 : index
    %get3A_16 = vector.load %arg4[%get3A_14, %get3A_15] : memref<2048x1xf32, #tpu.memory_space<vmem>>, vector<2048x1xf32>
    %add3A = vector.broadcast %get3A_16 : vector<2048x1xf32> to vector<2048x2048xf32>
    %add3A_17 = arith.addf %sub3A_13, %add3A : vector<2048x2048xf32>
    %iota3A = tpu.iota {dimensions = array<i32: 0>} : vector<2048x1xi32>
    %convert_element_type3A_18 = arith.sitofp %iota3A : vector<2048x1xi32> to vector<2048x1xf32>
    %reduce_min3A = arith.constant dense<0x7F800000> : vector<2048xf32>
    %reduce_min3A_19 = vector.multi_reduction <minimumf>, %add3A_17, %reduce_min3A [0] : vector<2048x2048xf32> to vector<2048xf32>
    %broadcast_in_dim3A = vector.shape_cast %reduce_min3A_19 : vector<2048xf32> to vector<1x2048xf32>
    %eq3A_20 = vector.broadcast %broadcast_in_dim3A : vector<1x2048xf32> to vector<2048x2048xf32>
    %eq3A_21 = arith.cmpf oeq, %add3A_17, %eq3A_20 : vector<2048x2048xf32>
    %jit3A = arith.constant 3.000000e+38 : f32
    %broadcast_in_dim3A_22 = vector.shape_cast %convert_element_type3A_18 : vector<2048x1xf32> to vector<2048x1xf32>
    %broadcast_in_dim3A_23 = vector.broadcast %broadcast_in_dim3A_22 : vector<2048x1xf32> to vector<2048x2048xf32>
    %broadcast_in_dim3A_24 = vector.broadcast %jit3A : f32 to vector<2048x2048xf32>
    %select_n3A = arith.select %eq3A_21, %broadcast_in_dim3A_23, %broadcast_in_dim3A_24 : vector<2048x2048xi1>, vector<2048x2048xf32>
    %reduce_min3A_25 = arith.constant dense<0x7F800000> : vector<2048xf32>
    %reduce_min3A_26 = vector.multi_reduction <minimumf>, %select_n3A, %reduce_min3A_25 [0] : vector<2048x2048xf32> to vector<2048xf32>
    %broadcast_in_dim3A_27 = vector.shape_cast %reduce_min3A_26 : vector<2048xf32> to vector<1x2048xf32>
    %eq3A_28 = vector.broadcast %broadcast_in_dim3A_27 : vector<1x2048xf32> to vector<2048x2048xf32>
    %eq3A_29 = arith.cmpf oeq, %select_n3A, %eq3A_28 : vector<2048x2048xf32>
    %jit3A_30 = arith.constant 3.000000e+38 : f32
    %broadcast_in_dim3A_31 = vector.broadcast %jit3A_30 : f32 to vector<2048x2048xf32>
    %select_n3A_32 = arith.select %eq3A_29, %broadcast_in_dim3A_31, %add3A_17 : vector<2048x2048xi1>, vector<2048x2048xf32>
    %reduce_min3A_33 = arith.constant dense<0x7F800000> : vector<2048xf32>
    %reduce_min3A_34 = vector.multi_reduction <minimumf>, %select_n3A_32, %reduce_min3A_33 [0] : vector<2048x2048xf32> to vector<2048xf32>
    %broadcast_in_dim3A_35 = vector.shape_cast %reduce_min3A_34 : vector<2048xf32> to vector<1x2048xf32>
    %eq3A_36 = vector.broadcast %broadcast_in_dim3A_35 : vector<1x2048xf32> to vector<2048x2048xf32>
    %eq3A_37 = arith.cmpf oeq, %select_n3A_32, %eq3A_36 : vector<2048x2048xf32>
    %jit3A_38 = arith.constant 3.000000e+38 : f32
    %broadcast_in_dim3A_39 = vector.shape_cast %convert_element_type3A_18 : vector<2048x1xf32> to vector<2048x1xf32>
    %broadcast_in_dim3A_40 = vector.broadcast %broadcast_in_dim3A_39 : vector<2048x1xf32> to vector<2048x2048xf32>
    %broadcast_in_dim3A_41 = vector.broadcast %jit3A_38 : f32 to vector<2048x2048xf32>
    %select_n3A_42 = arith.select %eq3A_37, %broadcast_in_dim3A_40, %broadcast_in_dim3A_41 : vector<2048x2048xi1>, vector<2048x2048xf32>
    %reduce_min3A_43 = arith.constant dense<0x7F800000> : vector<2048xf32>
    %reduce_min3A_44 = vector.multi_reduction <minimumf>, %select_n3A_42, %reduce_min3A_43 [0] : vector<2048x2048xf32> to vector<2048xf32>
    %broadcast_in_dim3A_45 = vector.shape_cast %reduce_min3A_44 : vector<2048xf32> to vector<1x2048xf32>
    %eq3A_46 = vector.broadcast %broadcast_in_dim3A_45 : vector<1x2048xf32> to vector<2048x2048xf32>
    %eq3A_47 = arith.cmpf oeq, %select_n3A_42, %eq3A_46 : vector<2048x2048xf32>
    %jit3A_48 = arith.constant 3.000000e+38 : f32
    %broadcast_in_dim3A_49 = vector.broadcast %jit3A_48 : f32 to vector<2048x2048xf32>
    %select_n3A_50 = arith.select %eq3A_47, %broadcast_in_dim3A_49, %select_n3A_32 : vector<2048x2048xi1>, vector<2048x2048xf32>
    %reduce_min3A_51 = arith.constant dense<0x7F800000> : vector<2048xf32>
    %reduce_min3A_52 = vector.multi_reduction <minimumf>, %select_n3A_50, %reduce_min3A_51 [0] : vector<2048x2048xf32> to vector<2048xf32>
    %broadcast_in_dim3A_53 = vector.shape_cast %reduce_min3A_52 : vector<2048xf32> to vector<1x2048xf32>
    %eq3A_54 = vector.broadcast %broadcast_in_dim3A_53 : vector<1x2048xf32> to vector<2048x2048xf32>
    %eq3A_55 = arith.cmpf oeq, %select_n3A_50, %eq3A_54 : vector<2048x2048xf32>
    %jit3A_56 = arith.constant 3.000000e+38 : f32
    %broadcast_in_dim3A_57 = vector.shape_cast %convert_element_type3A_18 : vector<2048x1xf32> to vector<2048x1xf32>
    %broadcast_in_dim3A_58 = vector.broadcast %broadcast_in_dim3A_57 : vector<2048x1xf32> to vector<2048x2048xf32>
    %broadcast_in_dim3A_59 = vector.broadcast %jit3A_56 : f32 to vector<2048x2048xf32>
    %select_n3A_60 = arith.select %eq3A_55, %broadcast_in_dim3A_58, %broadcast_in_dim3A_59 : vector<2048x2048xi1>, vector<2048x2048xf32>
    %reduce_min3A_61 = arith.constant dense<0x7F800000> : vector<2048xf32>
    %reduce_min3A_62 = vector.multi_reduction <minimumf>, %select_n3A_60, %reduce_min3A_61 [0] : vector<2048x2048xf32> to vector<2048xf32>
    %broadcast_in_dim3A_63 = vector.shape_cast %reduce_min3A_62 : vector<2048xf32> to vector<1x2048xf32>
    %mul3A_64 = arith.constant 2048 : i32
    %mul3A_65 = arith.muli %arg0, %mul3A_64 : i32
    %convert_element_type3A_66 = arith.sitofp %mul3A_65 : i32 to f32
    %get3A_67 = arith.constant 0 : index
    %get3A_68 = arith.constant 0 : index
    %get3A_69 = vector.load %arg6[%get3A_67, %get3A_68] : memref<3x2048xf32, #tpu.memory_space<vmem>>, vector<3x2048xf32>
    %get3A_70 = arith.constant 0 : index
    %get3A_71 = arith.constant 0 : index
    %get3A_72 = vector.load %arg7[%get3A_70, %get3A_71] : memref<3x2048xf32, #tpu.memory_space<vmem>>, vector<3x2048xf32>
    %slice3A = vector.extract_strided_slice %get3A_69 {offsets = [0, 0], sizes = [1, 2048], strides = [1, 1]} : vector<3x2048xf32> to vector<1x2048xf32>
    %slice3A_73 = vector.extract_strided_slice %get3A_69 {offsets = [1, 0], sizes = [1, 2048], strides = [1, 1]} : vector<3x2048xf32> to vector<1x2048xf32>
    %slice3A_74 = vector.extract_strided_slice %get3A_69 {offsets = [2, 0], sizes = [1, 2048], strides = [1, 1]} : vector<3x2048xf32> to vector<1x2048xf32>
    %slice3A_75 = vector.extract_strided_slice %get3A_72 {offsets = [0, 0], sizes = [1, 2048], strides = [1, 1]} : vector<3x2048xf32> to vector<1x2048xf32>
    %slice3A_76 = vector.extract_strided_slice %get3A_72 {offsets = [1, 0], sizes = [1, 2048], strides = [1, 1]} : vector<3x2048xf32> to vector<1x2048xf32>
    %slice3A_77 = vector.extract_strided_slice %get3A_72 {offsets = [2, 0], sizes = [1, 2048], strides = [1, 1]} : vector<3x2048xf32> to vector<1x2048xf32>
    %add3A_78 = vector.broadcast %convert_element_type3A_66 : f32 to vector<1x2048xf32>
    %add3A_79 = arith.addf %broadcast_in_dim3A_27, %add3A_78 : vector<1x2048xf32>
    %lt3A = arith.cmpf olt, %broadcast_in_dim3A, %slice3A_74 : vector<1x2048xf32>
    %lt3A_80 = arith.cmpf olt, %broadcast_in_dim3A, %slice3A_73 : vector<1x2048xf32>
    %lt3A_81 = arith.cmpf olt, %broadcast_in_dim3A, %slice3A : vector<1x2048xf32>
    %select_n3A_82 = arith.select %lt3A_80, %slice3A_73, %broadcast_in_dim3A : vector<1x2048xi1>, vector<1x2048xf32>
    %select_n3A_83 = arith.select %lt3A, %select_n3A_82, %slice3A_74 : vector<1x2048xi1>, vector<1x2048xf32>
    %select_n3A_84 = arith.select %lt3A_80, %slice3A_76, %add3A_79 : vector<1x2048xi1>, vector<1x2048xf32>
    %select_n3A_85 = arith.select %lt3A, %select_n3A_84, %slice3A_77 : vector<1x2048xi1>, vector<1x2048xf32>
    %select_n3A_86 = arith.select %lt3A_81, %slice3A, %broadcast_in_dim3A : vector<1x2048xi1>, vector<1x2048xf32>
    %select_n3A_87 = arith.select %lt3A_80, %select_n3A_86, %slice3A_73 : vector<1x2048xi1>, vector<1x2048xf32>
    %select_n3A_88 = arith.select %lt3A_81, %slice3A_75, %add3A_79 : vector<1x2048xi1>, vector<1x2048xf32>
    %select_n3A_89 = arith.select %lt3A_80, %select_n3A_88, %slice3A_76 : vector<1x2048xi1>, vector<1x2048xf32>
    %select_n3A_90 = arith.select %lt3A_81, %broadcast_in_dim3A, %slice3A : vector<1x2048xi1>, vector<1x2048xf32>
    %select_n3A_91 = arith.select %lt3A_81, %add3A_79, %slice3A_75 : vector<1x2048xi1>, vector<1x2048xf32>
    %add3A_92 = vector.broadcast %convert_element_type3A_66 : f32 to vector<1x2048xf32>
    %add3A_93 = arith.addf %broadcast_in_dim3A_45, %add3A_92 : vector<1x2048xf32>
    %lt3A_94 = arith.cmpf olt, %broadcast_in_dim3A_35, %select_n3A_83 : vector<1x2048xf32>
    %lt3A_95 = arith.cmpf olt, %broadcast_in_dim3A_35, %select_n3A_87 : vector<1x2048xf32>
    %lt3A_96 = arith.cmpf olt, %broadcast_in_dim3A_35, %select_n3A_90 : vector<1x2048xf32>
    %select_n3A_97 = arith.select %lt3A_95, %select_n3A_87, %broadcast_in_dim3A_35 : vector<1x2048xi1>, vector<1x2048xf32>
    %select_n3A_98 = arith.select %lt3A_94, %select_n3A_97, %select_n3A_83 : vector<1x2048xi1>, vector<1x2048xf32>
    %select_n3A_99 = arith.select %lt3A_95, %select_n3A_89, %add3A_93 : vector<1x2048xi1>, vector<1x2048xf32>
    %select_n3A_100 = arith.select %lt3A_94, %select_n3A_99, %select_n3A_85 : vector<1x2048xi1>, vector<1x2048xf32>
    %select_n3A_101 = arith.select %lt3A_96, %select_n3A_90, %broadcast_in_dim3A_35 : vector<1x2048xi1>, vector<1x2048xf32>
    %select_n3A_102 = arith.select %lt3A_95, %select_n3A_101, %select_n3A_87 : vector<1x2048xi1>, vector<1x2048xf32>
    %select_n3A_103 = arith.select %lt3A_96, %select_n3A_91, %add3A_93 : vector<1x2048xi1>, vector<1x2048xf32>
    %select_n3A_104 = arith.select %lt3A_95, %select_n3A_103, %select_n3A_89 : vector<1x2048xi1>, vector<1x2048xf32>
    %select_n3A_105 = arith.select %lt3A_96, %broadcast_in_dim3A_35, %select_n3A_90 : vector<1x2048xi1>, vector<1x2048xf32>
    %select_n3A_106 = arith.select %lt3A_96, %add3A_93, %select_n3A_91 : vector<1x2048xi1>, vector<1x2048xf32>
    %add3A_107 = vector.broadcast %convert_element_type3A_66 : f32 to vector<1x2048xf32>
    %add3A_108 = arith.addf %broadcast_in_dim3A_63, %add3A_107 : vector<1x2048xf32>
    %lt3A_109 = arith.cmpf olt, %broadcast_in_dim3A_53, %select_n3A_98 : vector<1x2048xf32>
    %lt3A_110 = arith.cmpf olt, %broadcast_in_dim3A_53, %select_n3A_102 : vector<1x2048xf32>
    %lt3A_111 = arith.cmpf olt, %broadcast_in_dim3A_53, %select_n3A_105 : vector<1x2048xf32>
    %select_n3A_112 = arith.select %lt3A_110, %select_n3A_102, %broadcast_in_dim3A_53 : vector<1x2048xi1>, vector<1x2048xf32>
    %select_n3A_113 = arith.select %lt3A_109, %select_n3A_112, %select_n3A_98 : vector<1x2048xi1>, vector<1x2048xf32>
    %select_n3A_114 = arith.select %lt3A_110, %select_n3A_104, %add3A_108 : vector<1x2048xi1>, vector<1x2048xf32>
    %select_n3A_115 = arith.select %lt3A_109, %select_n3A_114, %select_n3A_100 : vector<1x2048xi1>, vector<1x2048xf32>
    %select_n3A_116 = arith.select %lt3A_111, %select_n3A_105, %broadcast_in_dim3A_53 : vector<1x2048xi1>, vector<1x2048xf32>
    %select_n3A_117 = arith.select %lt3A_110, %select_n3A_116, %select_n3A_102 : vector<1x2048xi1>, vector<1x2048xf32>
    %select_n3A_118 = arith.select %lt3A_111, %select_n3A_106, %add3A_108 : vector<1x2048xi1>, vector<1x2048xf32>
    %select_n3A_119 = arith.select %lt3A_110, %select_n3A_118, %select_n3A_104 : vector<1x2048xi1>, vector<1x2048xf32>
    %select_n3A_120 = arith.select %lt3A_111, %broadcast_in_dim3A_53, %select_n3A_105 : vector<1x2048xi1>, vector<1x2048xf32>
    %select_n3A_121 = arith.select %lt3A_111, %add3A_108, %select_n3A_106 : vector<1x2048xi1>, vector<1x2048xf32>
    %concatenate3A = tpu.concatenate %select_n3A_120, %select_n3A_117, %select_n3A_113 in 0 : vector<1x2048xf32>, vector<1x2048xf32>, vector<1x2048xf32> -> vector<3x2048xf32>
    %swap3A = arith.constant 0 : index
    %swap3A_122 = arith.constant 0 : index
    %swap3A_123 = vector.load %arg6[%swap3A, %swap3A_122] : memref<3x2048xf32, #tpu.memory_space<vmem>>, vector<3x2048xf32>
    tpu.vector_store %arg6[%swap3A, %swap3A_122], %concatenate3A {strides = array<i32>} : memref<3x2048xf32, #tpu.memory_space<vmem>>, vector<3x2048xf32>,
    %concatenate3A_124 = tpu.concatenate %select_n3A_121, %select_n3A_119, %select_n3A_115 in 0 : vector<1x2048xf32>, vector<1x2048xf32>, vector<1x2048xf32> -> vector<3x2048xf32>
    %swap3A_125 = arith.constant 0 : index
    %swap3A_126 = arith.constant 0 : index
    %swap3A_127 = vector.load %arg7[%swap3A_125, %swap3A_126] : memref<3x2048xf32, #tpu.memory_space<vmem>>, vector<3x2048xf32>
    tpu.vector_store %arg7[%swap3A_125, %swap3A_126], %concatenate3A_124 {strides = array<i32>} : memref<3x2048xf32, #tpu.memory_space<vmem>>, vector<3x2048xf32>,
    %eq3A_128 = arith.constant 24 : i32
    %eq3A_129 = arith.cmpi eq, %arg0, %eq3A_128 : i32
    %convert_element_type3A_130 = arith.extui %eq3A_129 : i1 to i32
    %cond3A_131 = arith.constant 0 : i32
    %cond3A_132 = arith.cmpi ne, %convert_element_type3A_130, %cond3A_131 : i32
    scf.if %cond3A_132 {
      %concatenate3A_133 = tpu.concatenate %select_n3A_121, %select_n3A_119, %select_n3A_115 in 0 : vector<1x2048xf32>, vector<1x2048xf32>, vector<1x2048xf32> -> vector<3x2048xf32>
      %convert_element_type3A_134 = arith.fptosi %concatenate3A_133 : vector<3x2048xf32> to vector<3x2048xi32>
      %swap3A_135 = arith.constant 0 : index
      %swap3A_136 = arith.constant 0 : index
      %swap3A_137 = vector.load %arg5[%swap3A_135, %swap3A_136] : memref<3x2048xi32, #tpu.memory_space<vmem>>, vector<3x2048xi32>
      tpu.vector_store %arg5[%swap3A_135, %swap3A_136], %convert_element_type3A_134 {strides = array<i32>} : memref<3x2048xi32, #tpu.memory_space<vmem>>, vector<3x2048xi32>,
    } else {
    }
    return
  }
  func.func @transform_0(%arg0: i32) -> (i32, i32) {
    %c0_i32 = arith.constant 0 : i32
    %c0_i32_0 = arith.constant 0 : i32
    return %arg0, %c0_i32 : i32, i32
  }
  func.func @transform_1(%arg0: i32) -> (i32, i32) {
    %c0_i32 = arith.constant 0 : i32
    %c0_i32_0 = arith.constant 0 : i32
    %c0_i32_1 = arith.constant 0 : i32
    return %c0_i32, %c0_i32_0 : i32, i32
  }
  func.func @transform_2(%arg0: i32) -> (i32, i32) {
    %c0_i32 = arith.constant 0 : i32
    %c0_i32_0 = arith.constant 0 : i32
    %c0_i32_1 = arith.constant 0 : i32
    return %c0_i32, %c0_i32_0 : i32, i32
  }
  func.func @transform_3(%arg0: i32) -> (i32, i32) {
    %c0_i32 = arith.constant 0 : i32
    %c0_i32_0 = arith.constant 0 : i32
    return %arg0, %c0_i32 : i32, i32
  }
  func.func @transform_4(%arg0: i32) -> (i32, i32) {
    %c0_i32 = arith.constant 0 : i32
    %c0_i32_0 = arith.constant 0 : i32
    %c0_i32_1 = arith.constant 0 : i32
    return %c0_i32, %c0_i32_0 : i32, i32
  }
}

</mosaic_0001>

<sc_bundles>
// kernel: kernel.4.cloned.1.call-start
scs
__scs_entry_jumppad:
0x0: {  	(pc) =	sbr.rel $0x88, $3  }
0x1: {  	(tag) =	ssettag $0x0;
	lr =	simm.s32 $0x1  }
0x2: {  	[smem:$0x3F9E] =	sst lr;
	_ =	strace $0xD0000000  }
0x3: {  	_ = 	snop  }
0x4: {  	_ = 	snop  }
0x5: {  	_ = 	snop  }
0x6: {  	_ = 	snop  }
0x7: {  	_ = 	snop  }
__scs_overlays_trampoline_lowered:
0x8: {  	[smem:$0x3FAD] =	sst s0  }
0x9: {  	[smem:$0x3FAE] =	sst s1  }
0xa: {  	[smem:$0x3FAF] =	sst s2  }
0xb: {  	[smem:$0x3FB0] =	sst s3  }
0xc: {  	[smem:$0x3FB1] =	sst s4  }
0xd: {  	[smem:$0x3FB2] =	sst s5  }
0xe: {  	[smem:$0x3FB3] =	sst s6  }
0xf: {  	[smem:$0x3FB4] =	sst s7  }
0x10: {  	[smem:$0x3FB5] =	sst s8  }
0x11: {  	[smem:$0x3FB6] =	sst s9;
	s0 =	simm.s32 @!p0 $0x0  }
0x12: {  	s1 =	sld [smem:$0x3F9C];
	s0 =	simm.s32 @p0 $0x1  }
0x13: {  	[smem:$0x3FB7] =	sst s0;
	s0 =	simm.s32 @!p1 $0x0  }
0x14: {  	s2 =	sld [smem:$0x3F9B];
	s0 =	simm.s32 @p1 $0x1  }
0x15: {  	[smem:$0x3FB8] =	sst s0;
	s0 =	simm.s32 @!p2 $0x0  }
0x16: {  	s3 =	sld [smem:$0x3FDB];
	s0 =	simm.s32 @p2 $0x1  }
0x17: {  	s4 =	simm.s32 $0x1BF5;
	[smem:$0x3FBA] =	sst s0  }
0x18: {  	s0 =	sld [smem:$0x3F9D];
	_ =	swait.ge [sflag:s4], $0x0  }
0x19: {  	s7 =	sld [smem:$0x3F9E]  }
0x1a: {  	s8 =	sadd.s32 $0xFFFFE003, lr  }
0x1b: {  	s9 =	sadd.s32 $0xFFFFFEF7, lr;
	s5 =	simm.s32 $0xFFFFFFFF;
	p2 =	slt.u32 s8, $0xFFFFF086  }
0x1c: {  	p1 =	slt.u32 s9, $0xF7A;
	s5 =	simm.s32 @!p2 $0x0  }
0x1d: {  	s5 =	simm.s32 @p1 $0x1;
	p0 =	seq.s32 s7, s2  }
0x1e: {  	s7 =	smul.u32 @!p0 $0xF7A, s2;
	p2 =	seq.s32 @!p0 s5, $0x0  }
0x1f: {  	s9 =	smul.u32 $0xF7A, s1;
	s8 =	simm.s32 @!p0 $0x1BF5;
	p2 =	por !p2, p0  }
0x20: {  	[sflag:s8] =	ssyncset.s32 @!p0 $0xFFFFF086;
	s6 =	sadd.s32 @!p0 s3, s7;
	s7 =	simm.s32 @!p0 $0x108  }
0x21: {  	s3 =	sadd.s32 s3, s9;
	s6 =	sadd.s32 @!p0 $0x88, s6;
	s7 =	simm.s32 @p2 $0x1082  }
0x22: {  	[simem:s7], [sflag:s8] =	dma.local @!p0 [hbm:s6], $0xF7A  }
0x23: {  	s9 =	sor.u32 $0xD0000000, s2;
	s6 =	simm.s32 $0x108;
	_ =	swait.ge @!p0 [sflag:s8], $0x0  }
0x24: {  	s3 =	sadd.s32 $0x88, s3;
	s6 =	simm.s32 @!p1 $0x1082;
	[sflag:s4] =	ssyncset.s32 $0xFFFFF086  }
0x25: {  	[simem:s6], [sflag:s4] =	dma.local [hbm:s3], $0xF7A  }
0x26: {  	[smem:$0x3F9E] =	sst s1;
	(tag) =	ssettag s2;
	_ =	strace s9  }
0x27: {  	s1 =	sld [smem:$0x3FAE]  }
0x28: {  	s2 =	sld [smem:$0x3FAF]  }
0x29: {  	s4 =	sld [smem:$0x3FB1]  }
0x2a: {  	p0 =	seq.s32 s5, $0x0;
	s5 =	sld [smem:$0x3FB2]  }
0x2b: {  	s6 =	sld [smem:$0x3FB3]  }
0x2c: {  	s7 =	sld [smem:$0x3FB4]  }
0x2d: {  	s3 =	simm.s32 $0x108;
	s8 =	sld [smem:$0x3FB5]  }
0x2e: {  	s3 =	simm.s32 @!p0 $0x1082;
	s9 =	sld [smem:$0x3FB6]  }
0x2f: {  	lr =	sadd.s32 s0, s3;
	s0 =	sld [smem:$0x3FAD]  }
0x30: {  	s3 =	sld [smem:$0x3FB0]  }
0x31: {  	[smem:$0x3FB9] =	sst s10  }
0x32: {  	s10 =	sld [smem:$0x3FB7];
	_ =	sdelay $0x3  }
0x33: {  	p0 =	seq.s32 s10, $0x1;
	s10 =	sld [smem:$0x3FB9];
	_ =	sdelay $0x3  }
0x34: {  	[smem:$0x3FB9] =	sst s10  }
0x35: {  	s10 =	sld [smem:$0x3FB8];
	_ =	sdelay $0x3  }
0x36: {  	p1 =	seq.s32 s10, $0x1;
	s10 =	sld [smem:$0x3FB9];
	_ =	sdelay $0x3  }
0x37: {  	[smem:$0x3FB9] =	sst s10  }
0x38: {  	s10 =	sld [smem:$0x3FBA]  }
0x39: {  	_ = 	snop;
	(pc) =	sbr.ind lr, $3  }
0x3a: {  	_ = 	snop  }
0x3b: {  	_ = 	snop  }
0x3c: {  	p2 =	seq.s32 s10, $0x1;
	s10 =	sld [smem:$0x3FB9]  }
0x3d: {  	_ =	shalt  }
0x3e: {  	_ =	shalt  }
0x3f: {  	_ =	shalt  }
0x40: {  	_ =	shalt  }
0x41: {  	_ =	shalt  }
0x42: {  	_ =	shalt  }
0x43: {  	_ =	shalt  }
0x44: {  	_ =	shalt  }
0x45: {  	_ =	shalt  }
0x46: {  	_ =	shalt  }
0x47: {  	_ =	shalt  }
0x48: {  	_ =	shalt  }
0x49: {  	_ =	shalt  }
0x4a: {  	_ =	shalt  }
0x4b: {  	_ =	shalt  }
0x4c: {  	_ =	shalt  }
0x4d: {  	_ =	shalt  }
0x4e: {  	_ =	shalt  }
0x4f: {  	_ =	shalt  }
0x50: {  	_ =	shalt  }
0x51: {  	_ =	shalt  }
0x52: {  	_ =	shalt  }
0x53: {  	_ =	shalt  }
0x54: {  	_ =	shalt  }
0x55: {  	_ =	shalt  }
0x56: {  	_ =	shalt  }
0x57: {  	_ =	shalt  }
0x58: {  	_ =	shalt  }
0x59: {  	_ =	shalt  }
0x5a: {  	_ =	shalt  }
0x5b: {  	_ =	shalt  }
0x5c: {  	_ =	shalt  }
0x5d: {  	_ =	shalt  }
0x5e: {  	_ =	shalt  }
0x5f: {  	_ =	shalt  }
0x60: {  	_ =	shalt  }
0x61: {  	_ =	shalt  }
0x62: {  	_ =	shalt  }
0x63: {  	_ =	shalt  }
0x64: {  	_ =	shalt  }
0x65: {  	_ =	shalt  }
0x66: {  	_ =	shalt  }
0x67: {  	_ =	shalt  }
0x68: {  	_ =	shalt  }
0x69: {  	_ =	shalt  }
0x6a: {  	_ =	shalt  }
0x6b: {  	_ =	shalt  }
0x6c: {  	_ =	shalt  }
0x6d: {  	_ =	shalt  }
0x6e: {  	_ =	shalt  }
0x6f: {  	_ =	shalt  }
0x70: {  	_ =	shalt  }
0x71: {  	_ =	shalt  }
0x72: {  	_ =	shalt  }
0x73: {  	_ =	shalt  }
0x74: {  	_ =	shalt  }
0x75: {  	_ =	shalt  }
0x76: {  	_ =	shalt  }
0x77: {  	_ =	shalt  }
0x78: {  	_ =	shalt  }
0x79: {  	_ =	shalt  }
0x7a: {  	_ =	shalt  }
0x7b: {  	_ =	shalt  }
0x7c: {  	_ =	shalt  }
0x7d: {  	_ =	shalt  }
0x7e: {  	_ =	shalt  }
0x7f: {  	_ =	shalt  }
0x80: {  	_ =	shalt  }
0x81: {  	_ =	shalt  }
0x82: {  	_ =	shalt  }
0x83: {  	_ =	shalt  }
0x84: {  	_ =	shalt  }
0x85: {  	_ =	shalt  }
0x86: {  	_ =	shalt  }
0x87: {  	_ =	shalt  }
.Lfunc_end0:
.L_simem_size_0:
called_computation_lowered:
.L_overlay_start_0:
0x88: {  	s2 =	sld [smem:$0x3FD9]  }
0x89: {  	s3 =	sld [smem:$0x3FFE];
	_ =	sdelay $0x1  }
0x8a: {  	s1 =	srdreg.scid  }
0x8b: {  	s0 =	sand.u32 $0x1, s1  }
0x8c: {  	s14 =	sshll.u32 s0, $0xA;
	s2 =	sadd.s32 s3, s2  }
0x8d: {  	s2 =	sadd.s32 s2, s14  }
0x8e: {  	[smem:$0x3FC5] =	sst s2  }
0x8f: {  	_ = 	snop  }
0x90: {  	s2 =	sld [smem:$0x3FD0];
	_ =	sdelay $0x2  }
0x91: {  	s4 =	simm.s32 $0xA;
	s5 =	simm.s32 $0x10;
	s15 =	sld [smem:$0x3FC9]  }
0x92: {  	[smem:s5], [sflag:s4] =	dma.local [hbm:s2], $0x1  }
0x93: {  	_ =	swait.eq [sflag:s4], $0x1  }
0x94: {  	[sflag:s4] =	ssyncset.done $0x0  }
0x95: {  	s16 =	sld [smem:$0x10];
	[sflag:s4] =	ssyncadd.s32 $0xFFFFFFFF  }
0x96: {  	s17 =	sld [smem:$0x11];
	(tm) =	ssettm $0x1  }
0x97: {  	s18 =	sld [smem:$0x3FFB];
	_ =	sdelay $0x3  }
0x98: {  	_ =	strace s18  }
0x99: {  	s5 =	sld [smem:$0x3FFC];
	_ =	sdelay $0x3  }
0x9a: {  	_ =	strace s5  }
0x9b: {  	s5 =	sld [smem:$0x3FFD];
	_ =	sdelay $0x3  }
0x9c: {  	_ =	strace s5  }
0x9d: {  	_ =	strace $0x8FFFFFFF  }
0x9e: {  	s19 =	sld [smem:$0x3FDB];
	_ =	sdelay $0x1  }
0x9f: {  	s6 =	simm.s32 $_scs_section_size  }
0xa0: {  	s7 =	simm.s32 $_size__tile_overlayer_lowered;
	s8 =	simm.s32 $_tile_overlayer_lowered  }
0xa1: {  	s22 =	simm.s32 $0x1BFF;
	s21 =	sshll.u32 s8, $0x1;
	s5 =	sadd.s32 s6, s19  }
0xa2: {  	s9 =	simm.s32 $0x0;
	s20 =	sshll.u32 s7, $0x1;
	s7 =	sadd.s32 s21, s5  }
0xa3: {  	[timem:s9], [sflag:s22] =	dma.local [hbm:s7], s20  }
0xa4: {  	_ =	swait.ge [sflag:s22], s20  }
0xa5: {  	s6 =	ssub.s32 $0x0, s20;
	[sflag:s22] =	ssyncset.done $0x0  }
0xa6: {  	[sflag:s22] =	ssyncadd.s32 s6;
	_ =	sdelay $0x1  }
0xa7: {  	s23 =	simm.s32 $0x1B8B  }
0xa8: {  	_ =	swait.ge [sflag:s23], $0x1  }
0xa9: {  	[sflag:s23] =	ssyncset.done $0x0  }
0xaa: {  	s25 =	simm.s32 $0x1B8E;
	s24 =	sld [smem:$0x3FFE];
	[sflag:s23] =	ssyncadd.s32 $0xFFFFFFFF  }
0xab: {  	s26 =	simm.s32 $execute0_lowered;
	[smem:$0x3FD2] =	sst s25  }
0xac: {  	s7 =	sshll.u32 s26, $0x1;
	_ =	strace $0x80000046;
	[dreg:$0x1] =	wrdreg $0xFFFFFFFF  }
0xad: {  	s28 =	simm.s32 $_size_execute0_lowered;
	s5 =	sadd.s32 s5, s7;
	[dreg:$0x0] =	wrdreg $0x0  }
0xae: {  	s7 =	sshll.u32 s28, $0x1;
	[dreg:$0x2] =	wrdreg s5  }
0xaf: {  	[dreg:$0x3] =	wrdreg s7  }
0xb0: {  	[dreg:$0x4] =	wrdreg $0xC0  }
0xb1: {  	_ =	task [dreg:s9], $0x5FFFF  }
0xb2: {  	[dreg:$0x1] =	wrdreg $0xFFFFFFFF  }
0xb3: {  	[dreg:$0x0] =	wrdreg $0x60  }
0xb4: {  	[dreg:$0x2] =	wrdreg s15  }
0xb5: {  	[dreg:$0x3] =	wrdreg s24  }
0xb6: {  	[dreg:$0x4] =	wrdreg s17  }
0xb7: {  	[dreg:$0x5] =	wrdreg s16  }
0xb8: {  	[dreg:$0x6] =	wrdreg $0x9  }
0xb9: {  	_ =	task.clear_ibuf [dreg:s9], $0x7FFFF;
	_ =	strace $0x90000046  }
0xba: {  	s29 =	simm.s32 $0x9;
	_ =	strace $0x80000048  }
0xbb: {  	_ =	swait.ge [sflag:s29], $0x1  }
0xbc: {  	[sflag:s29] =	ssyncadd.s32 $0xFFFFFFFF  }
0xbd: {  	_ =	strace $0x90000048  }
0xbe: {  	_ =	sfence  }
0xbf: {  	s30 =	sld [smem:$0x0];
	_ =	sdelay $0x2  }
0xc0: {  	s31 =	sshll.u32 s1, $0xD;
	s1 =	sshrl.u32 s1, $0x2  }
0xc1: {  	s3 =	sand.u32 $0x4000, s31;
	s1 =	sadd.s32 s1, s30  }
0xc2: {  	s0 =	sor.u32 s3, s0;
	s1 =	sshll.u32 s1, $0x11  }
0xc3: {  	s0 =	sor.u32 s1, s0  }
0xc4: {  	s0 =	sadd.s32 $0x8F2B, s0  }
0xc5: {  	[sflag:s0] =	ssyncadd.remote.s32 $0x1  }
0xc6: {  	_ =	sfence.sel $0xFFFF  }
0xc7: {  	[dreg:$0x0] =	wrdreg $0xFFFFFFFF;
	(pc) =	sbr.abs _section_cstart, $3  }
0xc8: {  	[dreg:$0x1] =	wrdreg $0xFFFFFFFF  }
0xc9: {  	_ =	task.clear_ibuf [dreg:s9], $0x2FFFF;
	_ =	strace $0x9FFFFFFF  }
0xca: {  	(tm) =	ssettm $0x7FFFFFFF  }
0xcb: {  	_ =	shalt  }
tec
execute0_lowered:
.L_overlay_start_1:
0x0: {  	(tag) =	ssettag $0x1  }
0x1: {  	s1 =	rddreg [dreg:$0x0]  }
0x2: {  	s0 =	rddreg [dreg:$0x1]  }
0x3: {  	s2 =	rddreg [dreg:$0x2]  }
0x4: {  	s7 =	rddreg [dreg:$0x3];
	s3 =	simm.s32 $0x0;
	s4 =	srdreg.scid  }
0x5: {  	s6 =	stileid.u32;
	s11 =	simm.s32 $0xB100;
	s12 =	simm.s32 $0xB900  }
0x6: {  	s13 =	simm.s32 $0x1;
	s14 =	simm.s32 $0xC0;
	s15 =	simm.s32 $0xC100  }
0x7: {  	s16 =	simm.s32 $0x14100;
	s17 =	simm.s32 $0x18100;
	s18 =	simm.s32 $0x0  }
0x8: {  	[smem:$0x7FF] =	sst s3;
	s5 =	sand.u32 $0x1, s4;
	s6 =	sshll.u32 s6, $0x1  }
0x9: {  	s4 =	sadd.s32 $0xC8200, s0;
	_ =	strace $0x80000047;
	s6 =	sor.u32 s5, s6  }
0xa: {  	s5 =	ssub.s32 $0x2, s5;
	s8 =	sshll.u32 s6, $0xA;
	s10 =	smul.u32 $0x18, s6  }
0xb: {  	v2 =	vlaneseq.u32;
	vm0 =	vmmov $0xffff;
	v3 =	vimm.s32 $0x0;
	s9 =	sshrl.u32 s5, $0x1;
	s31 =	sshll.u32 s6, $0xB;
	s0 =	sadd.s32 s8, s0  }
0xc: {  	v4 =	vimm.s32 $0x1;
	v5 =	vimm.s32 $0x2;
	vm1 =	vcmask $0x3F0C;
	s9 =	ssub.s32 s5, s9;
	s7 =	sadd.s32 s7, s31;
	s5 =	sadd.s32 s2, s10  }
0xd: {  	vm2 =	vcmask $0x3F08;
	vm3 =	vmmov $0x1;
	v1 =	vshrl.u32 v2, $0x3;
	s6 =	sadd.s32 $0x200, s0;
	s8 =	sadd.s32 $0x8200, s0;
	s9 =	smax.u32 s9, $0x1  }
0xe: {  	v0 =	vand.u32 $0x7, v2;
	v2 =	vor.u32 $0x8, v2;
	v1 =	vmul.u32 $0x8, v1;
	s10 =	simm.s32 $0x2;
	s0 =	simm.s32 $0xA100;
	s2 =	simm.s32 $0xA900  }
.LBB2_1:
0xf: {  	[tilespmem:s3], [sflag:$0x2] =	stream.linear.gather [hbm4b:s5+s3], $0xC0, $0x38;
	[tilespmem:$0x1A100] =	vst v63  }
0x10: {  	_ =	swait.ge [sflag:s10], $0xC0  }
0x11: {  	[sflag:s10] =	ssyncset.done $0x0  }
0x12: {  	[sflag:s10] =	ssyncadd.s32 $0xFFFFFF40  }
0x13: {  	v6 =	vld [tilespmem:$0x0];
	_ =	sdelay $0x4  }
0x14: {  	v7 =	vshll.u32 v6, $0x1  }
0x15: {  	v6 =	vand.u32 $0x7, v6;
	v7 =	vand.u32 $0xFFFFFFF0, v7  }
0x16: {  	v6 =	vor.u32 v6, v7  }
0x17: {  	v7 =	vperm.xlane v6, v0;
	_ =	sdelay $0x1  }
0x18: {  	v6 =	vperm.xlane v6, v2;
	v7 =	vadd.s32 v1, v7;
	_ =	sdelay $0x1  }
0x19: {  	v6 =	vadd.s32 v1, v6;
	_ =	sdelay $0x1  }
0x1a: {  	s19 =	simm.s32 $0x100  }
0x1b: {  	[tilespmem:s19], [sflag:$0x1] =	stream.indirect_vreg.gather [hbm4b:s1+s3], $0x80, v7, vm0, $0xb8;
	[tilespmem:$0x1A100] =	vst v63  }
0x1c: {  	s22 =	simm.s32 $0x900  }
0x1d: {  	[tilespmem:s22], [sflag:$0x1] =	stream.indirect_vreg.gather [hbm4b:s1+s3], $0x80, v6, vm0, $0xb8;
	[tilespmem:$0x1A100] =	vst v63  }
0x1e: {  	v6 =	vld [tilespmem:$0x10];
	_ =	sdelay $0x4  }
0x1f: {  	v7 =	vshll.u32 v6, $0x1  }
0x20: {  	v6 =	vand.u32 $0x7, v6;
	v7 =	vand.u32 $0xFFFFFFF0, v7  }
0x21: {  	v6 =	vor.u32 v6, v7  }
0x22: {  	v7 =	vperm.xlane v6, v0;
	_ =	sdelay $0x1  }
0x23: {  	v6 =	vperm.xlane v6, v2;
	v7 =	vadd.s32 v1, v7;
	_ =	sdelay $0x1  }
0x24: {  	v6 =	vadd.s32 v1, v6;
	_ =	sdelay $0x1  }
0x25: {  	s23 =	simm.s32 $0x1100  }
0x26: {  	[tilespmem:s23], [sflag:$0x1] =	stream.indirect_vreg.gather [hbm4b:s1+s3], $0x80, v7, vm0, $0xb8;
	[tilespmem:$0x1A100] =	vst v63  }
0x27: {  	s24 =	simm.s32 $0x1900  }
0x28: {  	[tilespmem:s24], [sflag:$0x1] =	stream.indirect_vreg.gather [hbm4b:s1+s3], $0x80, v6, vm0, $0xb8;
	[tilespmem:$0x1A100] =	vst v63  }
0x29: {  	v6 =	vld [tilespmem:$0x20];
	_ =	sdelay $0x4  }
0x2a: {  	v7 =	vshll.u32 v6, $0x1  }
0x2b: {  	v6 =	vand.u32 $0x7, v6;
	v7 =	vand.u32 $0xFFFFFFF0, v7  }
0x2c: {  	v6 =	vor.u32 v6, v7  }
0x2d: {  	v7 =	vperm.xlane v6, v0;
	_ =	sdelay $0x1  }
0x2e: {  	v6 =	vperm.xlane v6, v2;
	v7 =	vadd.s32 v1, v7;
	_ =	sdelay $0x1  }
0x2f: {  	v6 =	vadd.s32 v1, v6;
	_ =	sdelay $0x1  }
0x30: {  	s25 =	simm.s32 $0x2100  }
0x31: {  	[tilespmem:s25], [sflag:$0x1] =	stream.indirect_vreg.gather [hbm4b:s1+s3], $0x80, v7, vm0, $0xb8;
	[tilespmem:$0x1A100] =	vst v63  }
0x32: {  	s26 =	simm.s32 $0x2900  }
0x33: {  	[tilespmem:s26], [sflag:$0x1] =	stream.indirect_vreg.gather [hbm4b:s1+s3], $0x80, v6, vm0, $0xb8;
	[tilespmem:$0x1A100] =	vst v63  }
0x34: {  	v6 =	vld [tilespmem:$0x30];
	_ =	sdelay $0x4  }
0x35: {  	v7 =	vshll.u32 v6, $0x1  }
0x36: {  	v6 =	vand.u32 $0x7, v6;
	v7 =	vand.u32 $0xFFFFFFF0, v7  }
0x37: {  	v6 =	vor.u32 v6, v7  }
0x38: {  	v7 =	vperm.xlane v6, v0;
	_ =	sdelay $0x1  }
0x39: {  	v6 =	vperm.xlane v6, v2;
	v7 =	vadd.s32 v1, v7;
	_ =	sdelay $0x1  }
0x3a: {  	v6 =	vadd.s32 v1, v6;
	_ =	sdelay $0x1  }
0x3b: {  	s31 =	simm.s32 $0x3100  }
0x3c: {  	[tilespmem:s31], [sflag:$0x1] =	stream.indirect_vreg.gather [hbm4b:s1+s3], $0x80, v7, vm0, $0xb8;
	[tilespmem:$0x1A100] =	vst v63  }
0x3d: {  	s20 =	simm.s32 $0x3900  }
0x3e: {  	[tilespmem:s20], [sflag:$0x1] =	stream.indirect_vreg.gather [hbm4b:s1+s3], $0x80, v6, vm0, $0xb8;
	[tilespmem:$0x1A100] =	vst v63  }
0x3f: {  	v6 =	vld [tilespmem:$0x40];
	_ =	sdelay $0x4  }
0x40: {  	v7 =	vshll.u32 v6, $0x1  }
0x41: {  	v6 =	vand.u32 $0x7, v6;
	v7 =	vand.u32 $0xFFFFFFF0, v7  }
0x42: {  	v6 =	vor.u32 v6, v7  }
0x43: {  	v7 =	vperm.xlane v6, v0;
	_ =	sdelay $0x1  }
0x44: {  	v6 =	vperm.xlane v6, v2;
	v7 =	vadd.s32 v1, v7;
	_ =	sdelay $0x1  }
0x45: {  	v6 =	vadd.s32 v1, v6;
	_ =	sdelay $0x1  }
0x46: {  	s21 =	simm.s32 $0x4100  }
0x47: {  	[tilespmem:s21], [sflag:$0x1] =	stream.indirect_vreg.gather [hbm4b:s1+s3], $0x80, v7, vm0, $0xb8;
	[tilespmem:$0x1A100] =	vst v63  }
0x48: {  	s22 =	simm.s32 $0x4900  }
0x49: {  	[tilespmem:s22], [sflag:$0x1] =	stream.indirect_vreg.gather [hbm4b:s1+s3], $0x80, v6, vm0, $0xb8;
	[tilespmem:$0x1A100] =	vst v63  }
0x4a: {  	v6 =	vld [tilespmem:$0x50];
	_ =	sdelay $0x4  }
0x4b: {  	v7 =	vshll.u32 v6, $0x1  }
0x4c: {  	v6 =	vand.u32 $0x7, v6;
	v7 =	vand.u32 $0xFFFFFFF0, v7  }
0x4d: {  	v6 =	vor.u32 v6, v7  }
0x4e: {  	v7 =	vperm.xlane v6, v0;
	_ =	sdelay $0x1  }
0x4f: {  	v6 =	vperm.xlane v6, v2;
	v7 =	vadd.s32 v1, v7;
	_ =	sdelay $0x1  }
0x50: {  	v6 =	vadd.s32 v1, v6;
	_ =	sdelay $0x1  }
0x51: {  	s23 =	simm.s32 $0x5100  }
0x52: {  	[tilespmem:s23], [sflag:$0x1] =	stream.indirect_vreg.gather [hbm4b:s1+s3], $0x80, v7, vm0, $0xb8;
	[tilespmem:$0x1A100] =	vst v63  }
0x53: {  	s24 =	simm.s32 $0x5900  }
0x54: {  	[tilespmem:s24], [sflag:$0x1] =	stream.indirect_vreg.gather [hbm4b:s1+s3], $0x80, v6, vm0, $0xb8;
	[tilespmem:$0x1A100] =	vst v63  }
0x55: {  	v6 =	vld [tilespmem:$0x60];
	_ =	sdelay $0x4  }
0x56: {  	v7 =	vshll.u32 v6, $0x1  }
0x57: {  	v6 =	vand.u32 $0x7, v6;
	v7 =	vand.u32 $0xFFFFFFF0, v7  }
0x58: {  	v6 =	vor.u32 v6, v7  }
0x59: {  	v7 =	vperm.xlane v6, v0;
	_ =	sdelay $0x1  }
0x5a: {  	v6 =	vperm.xlane v6, v2;
	v7 =	vadd.s32 v1, v7;
	_ =	sdelay $0x1  }
0x5b: {  	v6 =	vadd.s32 v1, v6;
	_ =	sdelay $0x1  }
0x5c: {  	s25 =	simm.s32 $0x6100  }
0x5d: {  	[tilespmem:s25], [sflag:$0x1] =	stream.indirect_vreg.gather [hbm4b:s1+s3], $0x80, v7, vm0, $0xb8;
	[tilespmem:$0x1A100] =	vst v63  }
0x5e: {  	s26 =	simm.s32 $0x6900  }
0x5f: {  	[tilespmem:s26], [sflag:$0x1] =	stream.indirect_vreg.gather [hbm4b:s1+s3], $0x80, v6, vm0, $0xb8;
	[tilespmem:$0x1A100] =	vst v63  }
0x60: {  	v6 =	vld [tilespmem:$0x70];
	_ =	sdelay $0x4  }
0x61: {  	v7 =	vshll.u32 v6, $0x1  }
0x62: {  	v6 =	vand.u32 $0x7, v6;
	v7 =	vand.u32 $0xFFFFFFF0, v7  }
0x63: {  	v6 =	vor.u32 v6, v7  }
0x64: {  	v7 =	vperm.xlane v6, v0;
	_ =	sdelay $0x1  }
0x65: {  	v6 =	vperm.xlane v6, v2;
	v7 =	vadd.s32 v1, v7;
	_ =	sdelay $0x1  }
0x66: {  	v6 =	vadd.s32 v1, v6;
	_ =	sdelay $0x1  }
0x67: {  	s31 =	simm.s32 $0x7100  }
0x68: {  	[tilespmem:s31], [sflag:$0x1] =	stream.indirect_vreg.gather [hbm4b:s1+s3], $0x80, v7, vm0, $0xb8;
	[tilespmem:$0x1A100] =	vst v63  }
0x69: {  	s20 =	simm.s32 $0x7900  }
0x6a: {  	[tilespmem:s20], [sflag:$0x1] =	stream.indirect_vreg.gather [hbm4b:s1+s3], $0x80, v6, vm0, $0xb8;
	[tilespmem:$0x1A100] =	vst v63  }
0x6b: {  	v6 =	vld [tilespmem:$0x80];
	_ =	sdelay $0x4  }
0x6c: {  	v7 =	vshll.u32 v6, $0x1  }
0x6d: {  	v6 =	vand.u32 $0x7, v6;
	v7 =	vand.u32 $0xFFFFFFF0, v7  }
0x6e: {  	v6 =	vor.u32 v6, v7  }
0x6f: {  	v7 =	vperm.xlane v6, v0;
	_ =	sdelay $0x1  }
0x70: {  	v6 =	vperm.xlane v6, v2;
	v7 =	vadd.s32 v1, v7;
	_ =	sdelay $0x1  }
0x71: {  	v6 =	vadd.s32 v1, v6;
	_ =	sdelay $0x1  }
0x72: {  	s21 =	simm.s32 $0x8100  }
0x73: {  	[tilespmem:s21], [sflag:$0x1] =	stream.indirect_vreg.gather [hbm4b:s1+s3], $0x80, v7, vm0, $0xb8;
	[tilespmem:$0x1A100] =	vst v63  }
0x74: {  	s22 =	simm.s32 $0x8900  }
0x75: {  	[tilespmem:s22], [sflag:$0x1] =	stream.indirect_vreg.gather [hbm4b:s1+s3], $0x80, v6, vm0, $0xb8;
	[tilespmem:$0x1A100] =	vst v63  }
0x76: {  	v6 =	vld [tilespmem:$0x90];
	_ =	sdelay $0x4  }
0x77: {  	v7 =	vshll.u32 v6, $0x1  }
0x78: {  	v6 =	vand.u32 $0x7, v6;
	v7 =	vand.u32 $0xFFFFFFF0, v7  }
0x79: {  	v6 =	vor.u32 v6, v7  }
0x7a: {  	v7 =	vperm.xlane v6, v0;
	_ =	sdelay $0x1  }
0x7b: {  	v6 =	vperm.xlane v6, v2;
	v7 =	vadd.s32 v1, v7;
	_ =	sdelay $0x1  }
0x7c: {  	v6 =	vadd.s32 v1, v6;
	_ =	sdelay $0x1  }
0x7d: {  	s23 =	simm.s32 $0x9100  }
0x7e: {  	[tilespmem:s23], [sflag:$0x1] =	stream.indirect_vreg.gather [hbm4b:s1+s3], $0x80, v7, vm0, $0xb8;
	[tilespmem:$0x1A100] =	vst v63  }
0x7f: {  	s24 =	simm.s32 $0x9900  }
0x80: {  	[tilespmem:s24], [sflag:$0x1] =	stream.indirect_vreg.gather [hbm4b:s1+s3], $0x80, v6, vm0, $0xb8;
	[tilespmem:$0x1A100] =	vst v63  }
0x81: {  	v6 =	vld [tilespmem:$0xA0];
	_ =	sdelay $0x4  }
0x82: {  	v7 =	vshll.u32 v6, $0x1  }
0x83: {  	v6 =	vand.u32 $0x7, v6;
	v7 =	vand.u32 $0xFFFFFFF0, v7  }
0x84: {  	v6 =	vor.u32 v6, v7  }
0x85: {  	v7 =	vperm.xlane v6, v0;
	_ =	sdelay $0x1  }
0x86: {  	v6 =	vperm.xlane v6, v2;
	v7 =	vadd.s32 v1, v7;
	_ =	sdelay $0x1  }
0x87: {  	v6 =	vadd.s32 v1, v6;
	_ =	sdelay $0x2  }
0x88: {  	[tilespmem:s0], [sflag:$0x1] =	stream.indirect_vreg.gather [hbm4b:s1+s3], $0x80, v7, vm0, $0xb8;
	[tilespmem:$0x1A100] =	vst v63  }
0x89: {  	_ = 	snop  }
0x8a: {  	[tilespmem:s2], [sflag:$0x1] =	stream.indirect_vreg.gather [hbm4b:s1+s3], $0x80, v6, vm0, $0xb8;
	[tilespmem:$0x1A100] =	vst v63  }
0x8b: {  	v6 =	vld [tilespmem:$0xB0];
	_ =	sdelay $0x4  }
0x8c: {  	v7 =	vshll.u32 v6, $0x1  }
0x8d: {  	v6 =	vand.u32 $0x7, v6;
	v7 =	vand.u32 $0xFFFFFFF0, v7  }
0x8e: {  	v6 =	vor.u32 v6, v7  }
0x8f: {  	v7 =	vperm.xlane v6, v0;
	_ =	sdelay $0x1  }
0x90: {  	v6 =	vperm.xlane v6, v2;
	v7 =	vadd.s32 v1, v7;
	_ =	sdelay $0x1  }
0x91: {  	v6 =	vadd.s32 v1, v6;
	_ =	sdelay $0x2  }
0x92: {  	[tilespmem:s11], [sflag:$0x1] =	stream.indirect_vreg.gather [hbm4b:s1+s3], $0x80, v7, vm0, $0xb8;
	[tilespmem:$0x1A100] =	vst v63  }
0x93: {  	_ = 	snop  }
0x94: {  	[tilespmem:s12], [sflag:$0x1] =	stream.indirect_vreg.gather [hbm4b:s1+s3], $0x80, v6, vm0, $0xb8;
	[tilespmem:$0x1A100] =	vst v63  }
0x95: {  	_ =	swait.ge [sflag:s13], $0xC000  }
0x96: {  	[sflag:s13] =	ssyncset.done $0x0  }
0x97: {  	[sflag:s13] =	ssyncadd.s32 $0xFFFF4000  }
0x98: {  	[tilespmem:s15], [sflag:$0x1] =	stream.indirect.gather [hbm4b:s4+s14], $0x80, s3, s14, $0xb8;
	[tilespmem:$0x1A100] =	vst v63  }
0x99: {  	_ =	swait.ge [sflag:s13], $0x6000  }
0x9a: {  	[sflag:s13] =	ssyncset.done $0x0  }
0x9b: {  	s25 =	simm.s32 $0x12100;
	[sflag:s13] =	ssyncadd.s32 $0xFFFFA000  }
0x9c: {  	[tilespmem:s25], [sflag:$0x2] =	stream.linear.gather [hbm4b:s6+s3], $0x2000, $0x38;
	[tilespmem:$0x1A100] =	vst v63  }
0x9d: {  	_ =	swait.ge [sflag:s10], $0x2000  }
0x9e: {  	[sflag:s10] =	ssyncset.done $0x0  }
0x9f: {  	[sflag:s10] =	ssyncadd.s32 $0xFFFFE000  }
0xa0: {  	s20 =	simm.s32 $0xC180;
	v6 =	vld [tilespmem:s25+$0x0]  }
0xa1: {  	v7 =	vld [tilespmem:s20+$0x80];
	_ =	sdelay $0x2  }
0xa2: {  	v8 =	vld [tilespmem:s20+$0x0]  }
0xa3: {  	v9 =	vld [tilespmem:s20+$0xFFFFFF80]  }
0xa4: {  	v7 =	vsub.f32 v7, v6;
	_ =	sdelay $0x1  }
0xa5: {  	v7 =	vmul.f32 v7, v7  }
0xa6: {  	v8 =	vsub.f32 v8, v6  }
0xa7: {  	v6 =	vsub.f32 v9, v6;
	v9 =	vperm.xlane v7, v3;
	v10 =	vperm.xlane v7, v4  }
0xa8: {  	v8 =	vmul.f32 v8, v8  }
0xa9: {  	v6 =	vmul.f32 v6, v6;
	v7 =	vperm.xlane v7, v5;
	v9 =	vadd.f32 v10, v9  }
0xaa: {  	v11 =	vperm.xlane v8, v3;
	v13 =	vperm.xlane v8, v4  }
0xab: {  	v12 =	vperm.xlane v6, v3;
	v10 =	vperm.xlane v6, v4;
	v7 =	vadd.f32 v7, v9  }
0xac: {  	v8 =	vperm.xlane v8, v5;
	v11 =	vadd.f32 v13, v11  }
0xad: {  	v6 =	vperm.xlane v6, v5;
	v9 =	vadd.f32 v10, v12;
	v7 =	vmax.f32 v7, $1.000000020e-16  }
0xae: {  	v8 =	vadd.f32 v8, v11;
	(erf) = vrcp.f32 v7  }
0xaf: {  	v6 =	vadd.f32 v6, v9  }
0xb0: {  	v7 =	vmax.f32 v8, $1.000000020e-16  }
0xb1: {  	v6 =	vmax.f32 v6, $1.000000020e-16;
	(erf) = vrcp.f32 v7  }
0xb2: {  	(erf) = vrcp.f32 v6;
	_ =	sdelay $0x4  }
0xb3: {  	v6 =	vpop (erf)  }
0xb4: {  	v8 =	vsel vm1, $0x0, v6;
	_ =	sdelay $0x1  }
0xb5: {  	s26 =	sand.u32 $0xF800, s3;
	s31 =	sand.u32 $0x380, s3;
	v7 =	vpop (erf)  }
0xb6: {  	s19 =	sor.u32 s31, s26;
	v9 =	vsel vm2, v8, v7;
	v8 =	vpop (erf)  }
0xb7: {  	s26 =	simm.s32 $0x100;
	s21 =	simm.s32 $0x100;
	s22 =	simm.s32 $0x80;
	v9 =	vsel vm3, v8, v9;
	v10 =	vadd.f32 v7, v8  }
0xb8: {  	s23 =	sand.u32 $0x1F800, s21;
	s24 =	sand.u32 $0x380, s22;
	s25 =	simm.s32 $0x200;
	[tilespmem:s17+$0x0] =	vst v9  }
0xb9: {  	s22 =	sand.u32 $0x380, s26;
	s20 =	sor.u32 s24, s23;
	s21 =	sand.u32 $0x1F800, s25;
	v9 =	vadd.f32 v6, v10;
	v10 =	vld [tilespmem:s19+$0x100]  }
0xba: {  	s21 =	sor.u32 s22, s21;
	v11 =	vld [tilespmem:s20+$0x100]  }
0xbb: {  	(erf) = vrcp.f32 v9;
	v9 =	vld [tilespmem:s21+$0x100];
	_ =	sdelay $0x3  }
0xbc: {  	v10 =	vmul.f32 v10, v8;
	v11 =	vmul.f32 v11, v7  }
0xbd: {  	v9 =	vmul.f32 v9, v6  }
0xbe: {  	v10 =	vadd.f32 v11, v10;
	_ =	sdelay $0x1  }
0xbf: {  	v10 =	vadd.f32 v9, v10  }
0xc0: {  	v9 =	vpop (erf)  }
0xc1: {  	s31 =	sand.u32 $0x3800, s3;
	s23 =	sand.u32 $0x380, s3;
	v10 =	vmul.f32 v10, v9  }
0xc2: {  	s22 =	sor.u32 s23, s31  }
0xc3: {  	[tilespmem:s22+$0x14100] =	vst v10  }
0xc4: {  	v10 =	vld [tilespmem:s19+$0x110]  }
0xc5: {  	v11 =	vld [tilespmem:s20+$0x110];
	_ =	sdelay $0x1  }
0xc6: {  	v51 =	vld [tilespmem:s21+$0x110];
	_ =	sdelay $0x2  }
0xc7: {  	v10 =	vmul.f32 v10, v8;
	v11 =	vmul.f32 v11, v7;
	_ =	sdelay $0x1  }
0xc8: {  	v10 =	vadd.f32 v11, v10;
	v11 =	vmul.f32 v51, v6;
	_ =	sdelay $0x1  }
0xc9: {  	v10 =	vadd.f32 v11, v10;
	_ =	sdelay $0x1  }
0xca: {  	v10 =	vmul.f32 v10, v9  }
0xcb: {  	s23 =	sadd.s32 $0x14100, s22  }
0xcc: {  	[tilespmem:s23+$0x10] =	vst v10  }
0xcd: {  	v10 =	vld [tilespmem:s19+$0x120]  }
0xce: {  	v11 =	vld [tilespmem:s20+$0x120];
	_ =	sdelay $0x1  }
0xcf: {  	v52 =	vld [tilespmem:s21+$0x120];
	_ =	sdelay $0x2  }
0xd0: {  	v10 =	vmul.f32 v10, v8;
	v11 =	vmul.f32 v11, v7;
	_ =	sdelay $0x1  }
0xd1: {  	v12 =	vmul.f32 v52, v6;
	v10 =	vadd.f32 v11, v10;
	_ =	sdelay $0x1  }
0xd2: {  	v10 =	vadd.f32 v12, v10;
	_ =	sdelay $0x1  }
0xd3: {  	v10 =	vmul.f32 v10, v9;
	_ =	sdelay $0x1  }
0xd4: {  	[tilespmem:s23+$0x20] =	vst v10  }
0xd5: {  	v10 =	vld [tilespmem:s20+$0x130]  }
0xd6: {  	v11 =	vld [tilespmem:s19+$0x130];
	_ =	sdelay $0x1  }
0xd7: {  	v53 =	vld [tilespmem:s21+$0x130];
	_ =	sdelay $0x2  }
0xd8: {  	v10 =	vmul.f32 v10, v7;
	v11 =	vmul.f32 v11, v8;
	_ =	sdelay $0x1  }
0xd9: {  	v12 =	vmul.f32 v53, v6;
	v10 =	vadd.f32 v10, v11;
	_ =	sdelay $0x1  }
0xda: {  	v10 =	vadd.f32 v12, v10;
	_ =	sdelay $0x1  }
0xdb: {  	v10 =	vmul.f32 v10, v9;
	_ =	sdelay $0x1  }
0xdc: {  	[tilespmem:s23+$0x30] =	vst v10  }
0xdd: {  	v10 =	vld [tilespmem:s19+$0x140]  }
0xde: {  	v11 =	vld [tilespmem:s20+$0x140];
	_ =	sdelay $0x1  }
0xdf: {  	v54 =	vld [tilespmem:s21+$0x140];
	_ =	sdelay $0x2  }
0xe0: {  	v10 =	vmul.f32 v10, v8;
	v11 =	vmul.f32 v11, v7;
	_ =	sdelay $0x1  }
0xe1: {  	v12 =	vmul.f32 v54, v6;
	v10 =	vadd.f32 v11, v10;
	_ =	sdelay $0x1  }
0xe2: {  	v10 =	vadd.f32 v12, v10;
	_ =	sdelay $0x1  }
0xe3: {  	v10 =	vmul.f32 v10, v9;
	_ =	sdelay $0x1  }
0xe4: {  	[tilespmem:s23+$0x40] =	vst v10  }
0xe5: {  	v10 =	vld [tilespmem:s19+$0x150]  }
0xe6: {  	v11 =	vld [tilespmem:s20+$0x150];
	_ =	sdelay $0x1  }
0xe7: {  	v55 =	vld [tilespmem:s21+$0x150];
	_ =	sdelay $0x2  }
0xe8: {  	v10 =	vmul.f32 v10, v8;
	v11 =	vmul.f32 v11, v7;
	_ =	sdelay $0x1  }
0xe9: {  	v12 =	vmul.f32 v55, v6;
	v10 =	vadd.f32 v11, v10;
	_ =	sdelay $0x1  }
0xea: {  	v10 =	vadd.f32 v12, v10;
	_ =	sdelay $0x1  }
0xeb: {  	v10 =	vmul.f32 v10, v9;
	_ =	sdelay $0x1  }
0xec: {  	[tilespmem:s23+$0x50] =	vst v10  }
0xed: {  	v10 =	vld [tilespmem:s19+$0x160]  }
0xee: {  	v11 =	vld [tilespmem:s20+$0x160];
	_ =	sdelay $0x1  }
0xef: {  	v56 =	vld [tilespmem:s21+$0x160];
	_ =	sdelay $0x2  }
0xf0: {  	v10 =	vmul.f32 v10, v8;
	v11 =	vmul.f32 v11, v7;
	_ =	sdelay $0x1  }
0xf1: {  	v12 =	vmul.f32 v56, v6;
	v10 =	vadd.f32 v11, v10;
	_ =	sdelay $0x1  }
0xf2: {  	v10 =	vadd.f32 v12, v10;
	_ =	sdelay $0x1  }
0xf3: {  	v10 =	vmul.f32 v10, v9;
	_ =	sdelay $0x1  }
0xf4: {  	[tilespmem:s23+$0x60] =	vst v10  }
0xf5: {  	v10 =	vld [tilespmem:s19+$0x170]  }
0xf6: {  	v11 =	vld [tilespmem:s20+$0x170];
	_ =	sdelay $0x1  }
0xf7: {  	v57 =	vld [tilespmem:s21+$0x170];
	_ =	sdelay $0x2  }
0xf8: {  	v10 =	vmul.f32 v10, v8;
	v11 =	vmul.f32 v11, v7;
	_ =	sdelay $0x1  }
0xf9: {  	v12 =	vmul.f32 v57, v6;
	v10 =	vadd.f32 v11, v10;
	_ =	sdelay $0x1  }
0xfa: {  	v10 =	vadd.f32 v12, v10;
	_ =	sdelay $0x1  }
0xfb: {  	v10 =	vmul.f32 v10, v9;
	_ =	sdelay $0x1  }
0xfc: {  	[tilespmem:s23+$0x70] =	vst v10  }
0xfd: {  	v10 =	vld [tilespmem:s19+$0x500]  }
0xfe: {  	v11 =	vld [tilespmem:s20+$0x500];
	_ =	sdelay $0x1  }
0xff: {  	v58 =	vld [tilespmem:s21+$0x500];
	_ =	sdelay $0x2  }
0x100: {  	v10 =	vmul.f32 v10, v8;
	v11 =	vmul.f32 v11, v7;
	_ =	sdelay $0x1  }
0x101: {  	v12 =	vmul.f32 v58, v6;
	v10 =	vadd.f32 v11, v10;
	_ =	sdelay $0x1  }
0x102: {  	v10 =	vadd.f32 v12, v10;
	_ =	sdelay $0x1  }
0x103: {  	v10 =	vmul.f32 v10, v9;
	_ =	sdelay $0x1  }
0x104: {  	[tilespmem:s23+$0x400] =	vst v10  }
0x105: {  	v10 =	vld [tilespmem:s19+$0x510]  }
0x106: {  	v11 =	vld [tilespmem:s20+$0x510];
	_ =	sdelay $0x1  }
0x107: {  	v59 =	vld [tilespmem:s21+$0x510];
	_ =	sdelay $0x2  }
0x108: {  	v10 =	vmul.f32 v10, v8;
	v11 =	vmul.f32 v11, v7;
	_ =	sdelay $0x1  }
0x109: {  	v12 =	vmul.f32 v59, v6;
	v10 =	vadd.f32 v11, v10;
	_ =	sdelay $0x1  }
0x10a: {  	v10 =	vadd.f32 v12, v10;
	_ =	sdelay $0x1  }
0x10b: {  	v10 =	vmul.f32 v10, v9;
	_ =	sdelay $0x1  }
0x10c: {  	[tilespmem:s23+$0x410] =	vst v10  }
0x10d: {  	v10 =	vld [tilespmem:s19+$0x520]  }
0x10e: {  	v11 =	vld [tilespmem:s20+$0x520];
	_ =	sdelay $0x1  }
0x10f: {  	v60 =	vld [tilespmem:s21+$0x520];
	_ =	sdelay $0x2  }
0x110: {  	v10 =	vmul.f32 v10, v8;
	v11 =	vmul.f32 v11, v7;
	_ =	sdelay $0x1  }
0x111: {  	v12 =	vmul.f32 v60, v6;
	v10 =	vadd.f32 v11, v10;
	_ =	sdelay $0x1  }
0x112: {  	v10 =	vadd.f32 v12, v10;
	_ =	sdelay $0x1  }
0x113: {  	v10 =	vmul.f32 v10, v9;
	_ =	sdelay $0x1  }
0x114: {  	[tilespmem:s23+$0x420] =	vst v10  }
0x115: {  	v10 =	vld [tilespmem:s19+$0x530]  }
0x116: {  	v11 =	vld [tilespmem:s20+$0x530];
	_ =	sdelay $0x1  }
0x117: {  	v61 =	vld [tilespmem:s21+$0x530];
	_ =	sdelay $0x2  }
0x118: {  	v10 =	vmul.f32 v10, v8;
	v11 =	vmul.f32 v11, v7;
	_ =	sdelay $0x1  }
0x119: {  	v12 =	vmul.f32 v61, v6;
	v10 =	vadd.f32 v11, v10;
	_ =	sdelay $0x1  }
0x11a: {  	v10 =	vadd.f32 v12, v10;
	_ =	sdelay $0x1  }
0x11b: {  	v10 =	vmul.f32 v10, v9;
	_ =	sdelay $0x1  }
0x11c: {  	[tilespmem:s23+$0x430] =	vst v10  }
0x11d: {  	v10 =	vld [tilespmem:s19+$0x540]  }
0x11e: {  	v11 =	vld [tilespmem:s20+$0x540];
	_ =	sdelay $0x1  }
0x11f: {  	v62 =	vld [tilespmem:s21+$0x540];
	_ =	sdelay $0x2  }
0x120: {  	v10 =	vmul.f32 v10, v8;
	v11 =	vmul.f32 v11, v7;
	_ =	sdelay $0x1  }
0x121: {  	v12 =	vmul.f32 v62, v6;
	v10 =	vadd.f32 v11, v10;
	_ =	sdelay $0x1  }
0x122: {  	v10 =	vadd.f32 v12, v10;
	_ =	sdelay $0x1  }
0x123: {  	v10 =	vmul.f32 v10, v9;
	_ =	sdelay $0x1  }
0x124: {  	[tilespmem:s23+$0x440] =	vst v10  }
0x125: {  	v10 =	vld [tilespmem:s19+$0x550]  }
0x126: {  	v11 =	vld [tilespmem:s20+$0x550];
	_ =	sdelay $0x1  }
0x127: {  	v63 =	vld [tilespmem:s21+$0x550];
	_ =	sdelay $0x2  }
0x128: {  	v10 =	vmul.f32 v10, v8;
	v11 =	vmul.f32 v11, v7;
	_ =	sdelay $0x1  }
0x129: {  	v12 =	vmul.f32 v63, v6;
	v10 =	vadd.f32 v11, v10;
	_ =	sdelay $0x1  }
0x12a: {  	v10 =	vadd.f32 v12, v10;
	_ =	sdelay $0x1  }
0x12b: {  	v10 =	vmul.f32 v10, v9  }
0x12c: {  	s28 =	simm.s32 $0x0  }
0x12d: {  	s29 =	simm.s32 $0x0;
	s30 =	simm.s32 $0x18100;
	s26 =	simm.s32 $0x80;
	[tilespmem:s23+$0x450] =	vst v10  }
0x12e: {  	s24 =	simm.s32 $0x12180;
	s25 =	simm.s32 $0xC300;
	s22 =	simm.s32 $0x180;
	v10 =	vld [tilespmem:s19+$0x560]  }
.LBB2_2:
0x12f: {  	v11 =	vld [tilespmem:s20+$0x560];
	s28 =	sadd.s32 $0x100, s28;
	s29 =	sadd.s32 $0x300, s29;
	s30 =	sadd.s32 $0x80, s30  }
0x130: {  	p0 =	sne.s32 s22, $0x5E80;
	s31 =	smov.u32 s22;
	s22 =	sadd.s32 $0x180, s22;
	v12 =	vld [tilespmem:s21+$0x560]  }
0x131: {  	_ =	sdelay $0x1  }
0x132: {  	v10 =	vmul.f32 v10, v8  }
0x133: {  	v11 =	vmul.f32 v11, v7  }
0x134: {  	v12 =	vmul.f32 v12, v6  }
0x135: {  	v10 =	vadd.f32 v11, v10;
	_ =	sdelay $0x1  }
0x136: {  	v10 =	vadd.f32 v12, v10;
	_ =	sdelay $0x1  }
0x137: {  	v10 =	vmul.f32 v10, v9;
	_ =	sdelay $0x1  }
0x138: {  	[tilespmem:s23+$0x460] =	vst v10  }
0x139: {  	v10 =	vld [tilespmem:s19+$0x570]  }
0x13a: {  	v11 =	vld [tilespmem:s20+$0x570]  }
0x13b: {  	v12 =	vld [tilespmem:s21+$0x570];
	_ =	sdelay $0x2  }
0x13c: {  	v8 =	vmul.f32 v10, v8  }
0x13d: {  	v7 =	vmul.f32 v11, v7  }
0x13e: {  	v6 =	vmul.f32 v12, v6  }
0x13f: {  	v7 =	vadd.f32 v7, v8;
	_ =	sdelay $0x1  }
0x140: {  	v6 =	vadd.f32 v6, v7;
	_ =	sdelay $0x1  }
0x141: {  	v6 =	vmul.f32 v6, v9;
	_ =	sdelay $0x1  }
0x142: {  	[tilespmem:s23+$0x470] =	vst v6  }
0x143: {  	v6 =	vld [tilespmem:s24+$0x0]  }
0x144: {  	v7 =	vld [tilespmem:s25+$0x80]  }
0x145: {  	v8 =	vld [tilespmem:s25+$0xFFFFFF80]  }
0x146: {  	v9 =	vld [tilespmem:s25+$0x0];
	_ =	sdelay $0x3  }
0x147: {  	v7 =	vsub.f32 v7, v6;
	v8 =	vsub.f32 v8, v6  }
0x148: {  	v6 =	vsub.f32 v9, v6  }
0x149: {  	v7 =	vmul.f32 v7, v7  }
0x14a: {  	v8 =	vmul.f32 v8, v8;
	v6 =	vmul.f32 v6, v6  }
0x14b: {  	v9 =	vperm.xlane v7, v3;
	v10 =	vperm.xlane v7, v4  }
0x14c: {  	v11 =	vperm.xlane v8, v5;
	v12 =	vperm.xlane v6, v3  }
0x14d: {  	v7 =	vperm.xlane v7, v5;
	v13 =	vperm.xlane v8, v3;
	v9 =	vadd.f32 v10, v9  }
0x14e: {  	v8 =	vperm.xlane v8, v4;
	v10 =	vperm.xlane v6, v4  }
0x14f: {  	v7 =	vadd.f32 v7, v9  }
0x150: {  	v6 =	vperm.xlane v6, v5;
	v8 =	vadd.f32 v8, v13;
	v9 =	vadd.f32 v10, v12  }
0x151: {  	v7 =	vmax.f32 v7, $1.000000020e-16  }
0x152: {  	v8 =	vadd.f32 v11, v8;
	v6 =	vadd.f32 v6, v9;
	(erf) = vrcp.f32 v7;
	_ =	sdelay $0x1  }
0x153: {  	v7 =	vmax.f32 v8, $1.000000020e-16;
	v6 =	vmax.f32 v6, $1.000000020e-16  }
0x154: {  	(erf) = vrcp.f32 v6  }
0x155: {  	(erf) = vrcp.f32 v7;
	_ =	sdelay $0x4  }
0x156: {  	v6 =	vpop (erf);
	_ =	sdelay $0x2  }
0x157: {  	v10 =	vsel vm1, $0x0, v6;
	v7 =	vpop (erf)  }
0x158: {  	v9 =	vsel vm2, v10, v7;
	v8 =	vpop (erf)  }
0x159: {  	s19 =	sand.u32 $0xF800, s29;
	s20 =	sand.u32 $0x380, s31;
	v9 =	vsel vm3, v8, v9;
	v10 =	vadd.f32 v7, v8  }
0x15a: {  	s19 =	sor.u32 s20, s19;
	s20 =	sadd.s32 $0x100, s29;
	s21 =	sadd.s32 $0x80, s31;
	[tilespmem:s30+$0x0] =	vst v9  }
0x15b: {  	s20 =	sand.u32 $0x1F800, s20;
	s21 =	sand.u32 $0x380, s21;
	v9 =	vadd.f32 v6, v10;
	v10 =	vld [tilespmem:s19+$0x100]  }
0x15c: {  	s20 =	sor.u32 s21, s20;
	s21 =	sadd.s32 $0x200, s29;
	s23 =	sadd.s32 $0x100, s31  }
0x15d: {  	s21 =	sand.u32 $0x1F800, s21;
	s23 =	sand.u32 $0x380, s23;
	v11 =	vld [tilespmem:s20+$0x100]  }
0x15e: {  	s21 =	sor.u32 s23, s21;
	(erf) = vrcp.f32 v9  }
0x15f: {  	v9 =	vld [tilespmem:s21+$0x100]  }
0x160: {  	v10 =	vmul.f32 v10, v8;
	_ =	sdelay $0x1  }
0x161: {  	v11 =	vmul.f32 v11, v7;
	_ =	sdelay $0x1  }
0x162: {  	v10 =	vadd.f32 v11, v10;
	v11 =	vmul.f32 v9, v6;
	_ =	sdelay $0x1  }
0x163: {  	v10 =	vadd.f32 v11, v10  }
0x164: {  	v9 =	vpop (erf)  }
0x165: {  	s31 =	sand.u32 $0x380, s26;
	s23 =	sand.u32 $0x3800, s28;
	v10 =	vmul.f32 v10, v9  }
0x166: {  	s23 =	sor.u32 s31, s23  }
0x167: {  	[tilespmem:s23+$0x14100] =	vst v10  }
0x168: {  	v10 =	vld [tilespmem:s19+$0x110]  }
0x169: {  	v11 =	vld [tilespmem:s20+$0x110];
	_ =	sdelay $0x1  }
0x16a: {  	v12 =	vld [tilespmem:s21+$0x110];
	_ =	sdelay $0x1  }
0x16b: {  	v10 =	vmul.f32 v10, v8  }
0x16c: {  	v11 =	vmul.f32 v11, v7;
	_ =	sdelay $0x1  }
0x16d: {  	v10 =	vadd.f32 v11, v10;
	v11 =	vmul.f32 v12, v6;
	_ =	sdelay $0x1  }
0x16e: {  	v10 =	vadd.f32 v11, v10;
	_ =	sdelay $0x1  }
0x16f: {  	v10 =	vmul.f32 v10, v9  }
0x170: {  	s23 =	sadd.s32 $0x14100, s23  }
0x171: {  	[tilespmem:s23+$0x10] =	vst v10  }
0x172: {  	v10 =	vld [tilespmem:s19+$0x120]  }
0x173: {  	v11 =	vld [tilespmem:s20+$0x120]  }
0x174: {  	v12 =	vld [tilespmem:s21+$0x120];
	_ =	sdelay $0x2  }
0x175: {  	v10 =	vmul.f32 v10, v8  }
0x176: {  	v11 =	vmul.f32 v11, v7  }
0x177: {  	v12 =	vmul.f32 v12, v6  }
0x178: {  	v10 =	vadd.f32 v11, v10;
	_ =	sdelay $0x1  }
0x179: {  	v10 =	vadd.f32 v12, v10;
	_ =	sdelay $0x1  }
0x17a: {  	v10 =	vmul.f32 v10, v9;
	_ =	sdelay $0x1  }
0x17b: {  	[tilespmem:s23+$0x20] =	vst v10  }
0x17c: {  	v10 =	vld [tilespmem:s20+$0x130]  }
0x17d: {  	v11 =	vld [tilespmem:s19+$0x130]  }
0x17e: {  	v12 =	vld [tilespmem:s21+$0x130];
	_ =	sdelay $0x2  }
0x17f: {  	v10 =	vmul.f32 v10, v7  }
0x180: {  	v11 =	vmul.f32 v11, v8  }
0x181: {  	v12 =	vmul.f32 v12, v6  }
0x182: {  	v10 =	vadd.f32 v10, v11;
	_ =	sdelay $0x1  }
0x183: {  	v10 =	vadd.f32 v12, v10;
	_ =	sdelay $0x1  }
0x184: {  	v10 =	vmul.f32 v10, v9;
	_ =	sdelay $0x1  }
0x185: {  	[tilespmem:s23+$0x30] =	vst v10  }
0x186: {  	v10 =	vld [tilespmem:s19+$0x140]  }
0x187: {  	v11 =	vld [tilespmem:s20+$0x140]  }
0x188: {  	v12 =	vld [tilespmem:s21+$0x140];
	_ =	sdelay $0x2  }
0x189: {  	v10 =	vmul.f32 v10, v8  }
0x18a: {  	v11 =	vmul.f32 v11, v7  }
0x18b: {  	v12 =	vmul.f32 v12, v6  }
0x18c: {  	v10 =	vadd.f32 v11, v10;
	_ =	sdelay $0x1  }
0x18d: {  	v10 =	vadd.f32 v12, v10;
	_ =	sdelay $0x1  }
0x18e: {  	v10 =	vmul.f32 v10, v9;
	_ =	sdelay $0x1  }
0x18f: {  	[tilespmem:s23+$0x40] =	vst v10  }
0x190: {  	v10 =	vld [tilespmem:s19+$0x150]  }
0x191: {  	v11 =	vld [tilespmem:s20+$0x150]  }
0x192: {  	v12 =	vld [tilespmem:s21+$0x150];
	_ =	sdelay $0x2  }
0x193: {  	v10 =	vmul.f32 v10, v8  }
0x194: {  	v11 =	vmul.f32 v11, v7  }
0x195: {  	v12 =	vmul.f32 v12, v6  }
0x196: {  	v10 =	vadd.f32 v11, v10;
	_ =	sdelay $0x1  }
0x197: {  	v10 =	vadd.f32 v12, v10;
	_ =	sdelay $0x1  }
0x198: {  	v10 =	vmul.f32 v10, v9;
	_ =	sdelay $0x1  }
0x199: {  	[tilespmem:s23+$0x50] =	vst v10  }
0x19a: {  	v10 =	vld [tilespmem:s19+$0x160]  }
0x19b: {  	v11 =	vld [tilespmem:s20+$0x160]  }
0x19c: {  	v12 =	vld [tilespmem:s21+$0x160];
	_ =	sdelay $0x2  }
0x19d: {  	v10 =	vmul.f32 v10, v8  }
0x19e: {  	v11 =	vmul.f32 v11, v7  }
0x19f: {  	v12 =	vmul.f32 v12, v6  }
0x1a0: {  	v10 =	vadd.f32 v11, v10;
	_ =	sdelay $0x1  }
0x1a1: {  	v10 =	vadd.f32 v12, v10;
	_ =	sdelay $0x1  }
0x1a2: {  	v10 =	vmul.f32 v10, v9;
	_ =	sdelay $0x1  }
0x1a3: {  	[tilespmem:s23+$0x60] =	vst v10  }
0x1a4: {  	v10 =	vld [tilespmem:s19+$0x170]  }
0x1a5: {  	v11 =	vld [tilespmem:s20+$0x170]  }
0x1a6: {  	v12 =	vld [tilespmem:s21+$0x170];
	_ =	sdelay $0x2  }
0x1a7: {  	v10 =	vmul.f32 v10, v8  }
0x1a8: {  	v11 =	vmul.f32 v11, v7  }
0x1a9: {  	v12 =	vmul.f32 v12, v6  }
0x1aa: {  	v10 =	vadd.f32 v11, v10;
	_ =	sdelay $0x1  }
0x1ab: {  	v10 =	vadd.f32 v12, v10;
	_ =	sdelay $0x1  }
0x1ac: {  	v10 =	vmul.f32 v10, v9;
	_ =	sdelay $0x1  }
0x1ad: {  	[tilespmem:s23+$0x70] =	vst v10  }
0x1ae: {  	v10 =	vld [tilespmem:s19+$0x500]  }
0x1af: {  	v11 =	vld [tilespmem:s20+$0x500]  }
0x1b0: {  	v12 =	vld [tilespmem:s21+$0x500];
	_ =	sdelay $0x2  }
0x1b1: {  	v10 =	vmul.f32 v10, v8  }
0x1b2: {  	v11 =	vmul.f32 v11, v7  }
0x1b3: {  	v12 =	vmul.f32 v12, v6  }
0x1b4: {  	v10 =	vadd.f32 v11, v10;
	_ =	sdelay $0x1  }
0x1b5: {  	v10 =	vadd.f32 v12, v10;
	_ =	sdelay $0x1  }
0x1b6: {  	v10 =	vmul.f32 v10, v9;
	_ =	sdelay $0x1  }
0x1b7: {  	[tilespmem:s23+$0x400] =	vst v10  }
0x1b8: {  	v10 =	vld [tilespmem:s19+$0x510]  }
0x1b9: {  	v11 =	vld [tilespmem:s20+$0x510]  }
0x1ba: {  	v12 =	vld [tilespmem:s21+$0x510];
	_ =	sdelay $0x2  }
0x1bb: {  	v10 =	vmul.f32 v10, v8  }
0x1bc: {  	v11 =	vmul.f32 v11, v7  }
0x1bd: {  	v12 =	vmul.f32 v12, v6  }
0x1be: {  	v10 =	vadd.f32 v11, v10;
	_ =	sdelay $0x1  }
0x1bf: {  	v10 =	vadd.f32 v12, v10;
	_ =	sdelay $0x1  }
0x1c0: {  	v10 =	vmul.f32 v10, v9;
	_ =	sdelay $0x1  }
0x1c1: {  	[tilespmem:s23+$0x410] =	vst v10  }
0x1c2: {  	v10 =	vld [tilespmem:s19+$0x520]  }
0x1c3: {  	v11 =	vld [tilespmem:s20+$0x520]  }
0x1c4: {  	v12 =	vld [tilespmem:s21+$0x520];
	_ =	sdelay $0x2  }
0x1c5: {  	v10 =	vmul.f32 v10, v8  }
0x1c6: {  	v11 =	vmul.f32 v11, v7  }
0x1c7: {  	v12 =	vmul.f32 v12, v6  }
0x1c8: {  	v10 =	vadd.f32 v11, v10;
	_ =	sdelay $0x1  }
0x1c9: {  	v10 =	vadd.f32 v12, v10;
	_ =	sdelay $0x1  }
0x1ca: {  	v10 =	vmul.f32 v10, v9;
	_ =	sdelay $0x1  }
0x1cb: {  	[tilespmem:s23+$0x420] =	vst v10  }
0x1cc: {  	v10 =	vld [tilespmem:s19+$0x530]  }
0x1cd: {  	v11 =	vld [tilespmem:s20+$0x530]  }
0x1ce: {  	v12 =	vld [tilespmem:s21+$0x530];
	_ =	sdelay $0x2  }
0x1cf: {  	v10 =	vmul.f32 v10, v8  }
0x1d0: {  	v11 =	vmul.f32 v11, v7  }
0x1d1: {  	v12 =	vmul.f32 v12, v6  }
0x1d2: {  	v10 =	vadd.f32 v11, v10;
	_ =	sdelay $0x1  }
0x1d3: {  	v10 =	vadd.f32 v12, v10;
	_ =	sdelay $0x1  }
0x1d4: {  	v10 =	vmul.f32 v10, v9;
	_ =	sdelay $0x1  }
0x1d5: {  	[tilespmem:s23+$0x430] =	vst v10  }
0x1d6: {  	v10 =	vld [tilespmem:s19+$0x540]  }
0x1d7: {  	v11 =	vld [tilespmem:s20+$0x540]  }
0x1d8: {  	v12 =	vld [tilespmem:s21+$0x540];
	_ =	sdelay $0x2  }
0x1d9: {  	v10 =	vmul.f32 v10, v8  }
0x1da: {  	v11 =	vmul.f32 v11, v7  }
0x1db: {  	v12 =	vmul.f32 v12, v6  }
0x1dc: {  	v10 =	vadd.f32 v11, v10;
	_ =	sdelay $0x1  }
0x1dd: {  	v10 =	vadd.f32 v12, v10;
	_ =	sdelay $0x1  }
0x1de: {  	v10 =	vmul.f32 v10, v9;
	_ =	sdelay $0x1  }
0x1df: {  	[tilespmem:s23+$0x440] =	vst v10  }
0x1e0: {  	v10 =	vld [tilespmem:s19+$0x550]  }
0x1e1: {  	v11 =	vld [tilespmem:s20+$0x550]  }
0x1e2: {  	v12 =	vld [tilespmem:s21+$0x550];
	_ =	sdelay $0x2  }
0x1e3: {  	v10 =	vmul.f32 v10, v8  }
0x1e4: {  	v11 =	vmul.f32 v11, v7  }
0x1e5: {  	v12 =	vmul.f32 v12, v6  }
0x1e6: {  	v10 =	vadd.f32 v11, v10;
	_ =	sdelay $0x1  }
0x1e7: {  	v10 =	vadd.f32 v12, v10  }
.Ltmp0:
0x1e8: {  	(pc) =	sbr.rel @p0 .LBB2_2-.Ltmp0, $3  }
0x1e9: {  	v10 =	vmul.f32 v10, v9;
	_ =	sdelay $0x1  }
0x1ea: {  	[tilespmem:s23+$0x450] =	vst v10  }
0x1eb: {  	s26 =	sadd.s32 $0x80, s26;
	s24 =	sadd.s32 $0x80, s24;
	s25 =	sadd.s32 $0x180, s25;
	v10 =	vld [tilespmem:s19+$0x560]  }
0x1ec: {  	v11 =	vld [tilespmem:s20+$0x560];
	_ =	sdelay $0x1  }
0x1ed: {  	v12 =	vld [tilespmem:s21+$0x560];
	_ =	sdelay $0x2  }
0x1ee: {  	v10 =	vmul.f32 v10, v8;
	v11 =	vmul.f32 v11, v7;
	_ =	sdelay $0x1  }
0x1ef: {  	v12 =	vmul.f32 v12, v6;
	v10 =	vadd.f32 v11, v10;
	_ =	sdelay $0x1  }
0x1f0: {  	v10 =	vadd.f32 v12, v10;
	_ =	sdelay $0x1  }
0x1f1: {  	v10 =	vmul.f32 v10, v9;
	_ =	sdelay $0x1  }
0x1f2: {  	[tilespmem:s23+$0x460] =	vst v10  }
0x1f3: {  	v10 =	vld [tilespmem:s19+$0x570]  }
0x1f4: {  	v61 =	vld [tilespmem:s20+$0x570];
	_ =	sdelay $0x1  }
0x1f5: {  	v62 =	vld [tilespmem:s21+$0x570];
	_ =	sdelay $0x2  }
0x1f6: {  	v63 =	vmul.f32 v10, v8;
	v7 =	vmul.f32 v61, v7;
	_ =	sdelay $0x1  }
0x1f7: {  	v6 =	vmul.f32 v62, v6;
	v7 =	vadd.f32 v7, v63;
	_ =	sdelay $0x1  }
0x1f8: {  	v6 =	vadd.f32 v6, v7;
	_ =	sdelay $0x1  }
0x1f9: {  	v6 =	vmul.f32 v6, v9;
	_ =	sdelay $0x1  }
0x1fa: {  	[tilespmem:s23+$0x470] =	vst v6  }
0x1fb: {  	[hbm4b:s7+s3] =	stream.linear.scatter [tilespmem:s16], [sflag:$0x2], $0x4000, $0x38;
	[tilespmem:$0x1A100] =	vst v63  }
0x1fc: {  	s18 =	sadd.s32 $0x1, s18;
	_ =	swait.ge [sflag:s10], $0x4000  }
0x1fd: {  	p0 =	sne.s32 s18, s9;
	[sflag:s10] =	ssyncset.done $0x0  }
.Ltmp1:
0x1fe: {  	[sflag:s10] =	ssyncadd.s32 $0xFFFFC000;
	(pc) =	sbr.rel @p0 .LBB2_1-.Ltmp1, $4  }
0x1ff: {  	[hbm4b:s8+s3] =	stream.linear.scatter [tilespmem:s17], [sflag:$0x2], $0x2000, $0x38;
	[tilespmem:$0x1A100] =	vst v63  }
0x200: {  	_ =	swait.ge [sflag:s10], $0x2000  }
0x201: {  	[sflag:s10] =	ssyncset.done $0x0  }
0x202: {  	[sflag:s10] =	ssyncadd.s32 $0xFFFFE000  }
0x203: {  	_ =	sfence.sel $0x180000  }
0x204: {  	[bflag:$0x0] =	sbarrier.arrive $0xFFFF  }
0x205: {  	_ =	strace $0x90000047  }
0x206: {  	s0 =	stileid.u32;
	[bflag:$0x2] =	sbarrier.arrive $0xFFFF  }
0x207: {  	p0 =	sne.s32 s0, $0x0;
	s0 =	rddreg [dreg:$0x4]  }
0x208: {  	s0 =	sadd.s32 @!p0 $0x100000, s0  }
0x209: {  	[sflag:s0] =	ssyncadd.tile.s32 @!p0 $0x1;
	_ =	shalt  }
.Lfunc_end2:
_tile_overlayer_lowered:
.L_overlay_start_2:
0x20a: {  	(tag) =	ssettag $0x2  }
0x20b: {  	s0 =	rddreg [dreg:$0x0];
	s2 =	stileid.u32  }
0x20c: {  	s1 =	rddreg [dreg:$0x1];
	p0 =	sne.s32 s2, $0x0  }
0x20d: {  	s3 =	rddreg [dreg:$0x2];
	[bflag:$0x3] =	sbarrier.arrive $0xFFFF;
	s2 =	simm.s32 @!p0 $0x1C02  }
0x20e: {  	[timem:s3], [sflag:s2] =	dma.local @!p0 [hbm:s0], s1  }
0x20f: {  	s0 =	simm.s32 @!p0 $0x2  }
0x210: {  	_ =	swait.ge @!p0 [sflag:s0], s1  }
0x211: {  	s1 =	ssub.s32 @!p0 $0x0, s1;
	[sflag:s0] =	ssyncset.done @!p0 $0x0  }
0x212: {  	[sflag:s0] =	ssyncadd.s32 @!p0 s1  }
0x213: {  	[bflag:$0x3] =	sbarrier.arrive $0xFFFF  }
0x214: {  	_ =	shalt  }

</sc_bundles>
